<compile_context>
chip_gen: v7x
topology: tpu7x:2x2x1
jax: 0.10.2.dev20260603
libtpu: 0.0.44.dev20260713+nightly
codegen_flags: <defaults>
</compile_context>

<pallas_src>
import dataclasses
import functools

import jax
import jax.numpy as jnp
from jax import lax
from jax.experimental import pallas as pl
from jax.experimental.pallas import tpu as pltpu
from jax.experimental.pallas import tpu_sc as plsc

N_NODES = 10000
IN_CH = 128
HID_CH = 128
OUT_CH = 3
PAD_CH = 16
N_EDGES = 320000

N_TILES = 32
E_PER_TILE = N_EDGES // N_TILES
K = 100
CHUNKS_PER_TILE = E_PER_TILE // K
N_HALF = 2
CHUNKS_HALF = CHUNKS_PER_TILE // N_HALF
NBUF = 2
N_PAD = 10240
ROWS_PER_SUB = N_PAD // 16

_f32 = jnp.float32


@functools.cache
def _sc_mesh():
    return plsc.VectorSubcoreMesh(core_axis_name="c", subcore_axis_name="s")


def _sc_params():
    cp = pltpu.CompilerParams()
    if "needs_layout_passes" in pltpu.CompilerParams.__dataclass_fields__:
        cp = dataclasses.replace(cp, needs_layout_passes=False)
    return cp


def _hist_body(edges_hbm, out_hbm, hist, didx):
    c = lax.axis_index("c")
    s = lax.axis_index("s")
    wid = c * 16 + s

    @pl.loop(0, N_PAD // 16)
    def _(i):
        hist[pl.ds(i * 16, 16)] = jnp.zeros((16,), _f32)

    pltpu.sync_copy(
        edges_hbm.at[pl.ds(N_EDGES + wid * E_PER_TILE, E_PER_TILE)], didx)

    @pl.loop(0, E_PER_TILE // 16)
    def _(k):
        idx = didx[pl.ds(k * 16, 16)]
        plsc.addupdate_scatter(hist, [idx], jnp.ones((16,), _f32))

    pltpu.sync_copy(hist, out_hbm.at[pl.ds(wid * N_PAD, N_PAD)])


@functools.cache
def _hist_kernel():
    return pl.kernel(
        _hist_body,
        out_type=jax.ShapeDtypeStruct((N_TILES * N_PAD,), _f32),
        mesh=_sc_mesh(),
        compiler_params=_sc_params(),
        scratch_types=[
            pltpu.VMEM((N_PAD,), _f32),
            pltpu.VMEM((E_PER_TILE,), jnp.int32),
        ],
    )


def _edge_scatter_body(ch, rows_hbm, edges_hbm, zeros_hbm,
                       out0_hbm, out1_hbm, sidx, didx, rows0, rows1,
                       acc, gsem0, gsem1):
    c = lax.axis_index("c")
    s = lax.axis_index("s")
    wid = c * 16 + s
    rows = (rows0, rows1)
    gsem = (gsem0, gsem1)

    pltpu.sync_copy(zeros_hbm.at[pl.ds(s * ROWS_PER_SUB, ROWS_PER_SUB)],
                    acc.at[pl.ds(s * ROWS_PER_SUB, ROWS_PER_SUB)])
    plsc.subcore_barrier()

    for half in range(N_HALF):
        pltpu.sync_copy(edges_hbm.at[0, wid, half], sidx)
        pltpu.sync_copy(edges_hbm.at[1, wid, half], didx)

        for b in range(NBUF):
            pltpu.async_copy(rows_hbm.at[sidx.at[b]], rows[b], gsem[b])

        @pl.loop(0, CHUNKS_HALF // NBUF)
        def _(g):
            for b in range(NBUF):
                j = g * NBUF + b
                pltpu.make_async_copy(rows_hbm.at[sidx.at[j]], rows[b],
                                      gsem[b]).wait()
                pltpu.sync_copy(rows[b], acc.at[didx.at[j]], add=True)

                @pl.when(g < CHUNKS_HALF // NBUF - 1)
                def _():
                    pltpu.async_copy(rows_hbm.at[sidx.at[j + NBUF]], rows[b],
                                     gsem[b])

    plsc.subcore_barrier()
    sl = pl.ds(s * ROWS_PER_SUB, ROWS_PER_SUB)

    @pl.when(c == 0)
    def _():
        pltpu.sync_copy(acc.at[sl], out0_hbm.at[sl])

    @pl.when(c == 1)
    def _():
        pltpu.sync_copy(acc.at[sl], out1_hbm.at[sl])


@functools.cache
def _edge_scatter_kernel(ch):
    return pl.kernel(
        functools.partial(_edge_scatter_body, ch),
        out_type=[jax.ShapeDtypeStruct((N_PAD, ch), _f32),
                  jax.ShapeDtypeStruct((N_PAD, ch), _f32)],
        mesh=_sc_mesh(),
        compiler_params=_sc_params(),
        scratch_types=[
            pltpu.VMEM((CHUNKS_HALF, K), jnp.int32),
            pltpu.VMEM((CHUNKS_HALF, K), jnp.int32),
            pltpu.VMEM((K, ch), _f32),
            pltpu.VMEM((K, ch), _f32),
            pltpu.VMEM_SHARED((N_PAD, ch), _f32),
            pltpu.SemaphoreType.DMA,
            pltpu.SemaphoreType.DMA,
        ],
    )


def _mm_body(x_ref, w_ref, xw_ref):
    xw_ref[:N_NODES, :] = lax.dot_general(x_ref[...], w_ref[...],
                                          (((1,), (0,)), ((), ())),
                                          preferred_element_type=_f32)
    xw_ref[N_NODES:, :] = jnp.zeros((N_PAD - N_NODES, HID_CH), _f32)


def _deg_scale_body(h_ref, xw_ref, d_ref, s_ref):
    deg = 1.0 + jnp.sum(h_ref[...], axis=0, keepdims=True)
    dc = jnp.transpose(lax.rsqrt(deg), (1, 0))
    d_ref[...] = dc
    s_ref[...] = xw_ref[...] * dc


def _layer1_body(p0_ref, p1_ref, s_ref, d_ref, b_ref, sh_ref):
    dc = d_ref[...]
    h = dc * (p0_ref[...] + p1_ref[...] + s_ref[...]) + b_ref[...]
    sh_ref[...] = jnp.maximum(h, 0.0) * dc


def _final_body(q0_ref, q1_ref, sh_ref, d_ref, w2_ref, b_ref, o_ref):
    dc = d_ref[...]
    seg = dc * (q0_ref[...] + q1_ref[...] + sh_ref[...])
    z = lax.dot_general(seg, w2_ref[...], (((1,), (0,)), ((), ())),
                        preferred_element_type=_f32) + b_ref[...]
    mask = lax.broadcasted_iota(jnp.int32, z.shape, 1) < OUT_CH
    zm = jnp.where(mask, z, -jnp.inf)
    m = jnp.max(zm, axis=1, keepdims=True)
    ez = jnp.where(mask, jnp.exp(z - m), 0.0)
    lse = jnp.log(jnp.sum(ez, axis=1, keepdims=True))
    o_ref[...] = z - m - lse


def kernel(x, edge_index, W1, b1, W2, b2):
    ei = edge_index.astype(jnp.int32)
    edges5 = ei.reshape(2, N_TILES, N_HALF, CHUNKS_HALF, K)
    edges1 = ei.reshape(2 * N_EDGES)

    hist = _hist_kernel()(edges1).reshape(N_TILES, N_PAD)
    xw = pl.pallas_call(
        _mm_body,
        out_shape=jax.ShapeDtypeStruct((N_PAD, HID_CH), _f32),
    )(x, W1)

    d_col, s = pl.pallas_call(
        _deg_scale_body,
        out_shape=[jax.ShapeDtypeStruct((N_PAD, 1), _f32),
                   jax.ShapeDtypeStruct((N_PAD, HID_CH), _f32)],
    )(hist, xw)
    zeros_wide = jnp.zeros((N_PAD, HID_CH), _f32)
    p0, p1 = _edge_scatter_kernel(HID_CH)(s, edges5, zeros_wide)

    sh = pl.pallas_call(
        _layer1_body,
        out_shape=jax.ShapeDtypeStruct((N_PAD, HID_CH), _f32),
    )(p0, p1, s, d_col, b1.reshape(1, HID_CH))

    q0, q1 = _edge_scatter_kernel(HID_CH)(sh, edges5, zeros_wide)

    W2p = jnp.zeros((HID_CH, PAD_CH), _f32).at[:, :OUT_CH].set(W2)
    b2p = jnp.zeros((1, PAD_CH), _f32).at[0, :OUT_CH].set(b2)
    out = pl.pallas_call(
        _final_body,
        out_shape=jax.ShapeDtypeStruct((N_PAD, PAD_CH), _f32),
    )(q0, q1, sh, d_col, W2p, b2p)
    return out[:N_NODES, :OUT_CH]

# --- scband reference (transcript-rebuilt; emitter-appended) ---
"""Pipeline reference for scband-re-link-gnn-37443524886863 (READ-ONLY COPY).

The authoritative reference and input builder live on the scoring server;
editing this copy changes nothing except your own understanding.
"""

import jax, jax.numpy as jnp
import numpy as np

NUM_NODES = 10000
IN_CH = 128
HID_CH = 128
OUT_CH = 3
NUM_EDGES = 320000


def gcn_conv(x, edge_index, W, b, num_nodes):
    # PyG GCNConv semantics: add self-loops, symmetric normalization, linear transform, scatter-add, bias
    src = edge_index[0]
    dst = edge_index[1]
    loop = jnp.arange(num_nodes, dtype=edge_index.dtype)
    src = jnp.concatenate([src, loop])
    dst = jnp.concatenate([dst, loop])
    deg = jnp.zeros((num_nodes,), dtype=x.dtype).at[dst].add(1.0)
    deg_inv_sqrt = jnp.where(deg > 0, deg ** -0.5, 0.0)
    norm = deg_inv_sqrt[src] * deg_inv_sqrt[dst]
    xw = x @ W
    msg = xw[src] * norm[:, None]
    out = jnp.zeros((num_nodes, W.shape[1]), dtype=x.dtype).at[dst].add(msg)
    return out + b


def setup_inputs(seed: int = 0) -> dict:
    key = jax.random.key(seed)
    k_x, k_e, k_w1, k_w2 = jax.random.split(key, 4)
    x = jax.random.normal(k_x, (NUM_NODES, IN_CH), dtype=jnp.float32)
    edge_index = jax.random.randint(k_e, (2, NUM_EDGES), 0, NUM_NODES, dtype=jnp.int64)
    # Glorot-style init for GCN weights, zeros for bias (PyG default)
    s1 = float(np.sqrt(6.0 / (IN_CH + HID_CH)))
    W1 = jax.random.uniform(k_w1, (IN_CH, HID_CH), dtype=jnp.float32, minval=-s1, maxval=s1)
    b1 = jnp.zeros((HID_CH,), dtype=jnp.float32)
    s2 = float(np.sqrt(6.0 / (HID_CH + OUT_CH)))
    W2 = jax.random.uniform(k_w2, (HID_CH, OUT_CH), dtype=jnp.float32, minval=-s2, maxval=s2)
    b2 = jnp.zeros((OUT_CH,), dtype=jnp.float32)
    return {"x": x, "edge_index": edge_index, "W1": W1, "b1": b1, "W2": W2, "b2": b2}


def reference(x, edge_index, W1, b1, W2, b2):
    h = gcn_conv(x, edge_index, W1, b1, NUM_NODES)
    h = jax.nn.relu(h)
    h = gcn_conv(h, edge_index, W2, b2, NUM_NODES)
    return jax.nn.log_softmax(h, axis=1)

if __name__ == "__main__":
    import jax
    _d = setup_inputs()
    print(jax.jit(kernel)(*tuple(_d.values())))

</pallas_src>

<mosaic_0001>
#map = affine_map<(d0, d1) -> (0, 0)>
#map1 = affine_map<(d0, d1) -> (0, 0, 0, 0, 0)>
module attributes {stable_mosaic.version = 14 : i64} {
  func.func @_edge_scatter_body(%arg0: i32, %arg1: i32, %arg2: memref<10240x128xf32, #tpu.memory_space<hbm>>, %arg3: memref<2x32x2x50x100xi32, #tpu.memory_space<hbm>>, %arg4: memref<10240x128xf32, #tpu.memory_space<hbm>>, %arg5: memref<10240x128xf32, #tpu.memory_space<hbm>>, %arg6: memref<10240x128xf32, #tpu.memory_space<hbm>>, %arg7: memref<50x100xi32, #tpu.memory_space<vmem>>, %arg8: memref<50x100xi32, #tpu.memory_space<vmem>>, %arg9: memref<100x128xf32, #tpu.memory_space<vmem>>, %arg10: memref<100x128xf32, #tpu.memory_space<vmem>>, %arg11: memref<10240x128xf32, #tpu.memory_space<vmem_shared>>, %arg12: memref<!tpu.dma_semaphore, #tpu.memory_space<semaphore_mem>>, %arg13: memref<!tpu.dma_semaphore, #tpu.memory_space<semaphore_mem>>) attributes {dimension_semantics = [#tpu.dimension_semantics<core_parallel>, #tpu.dimension_semantics<subcore_parallel>], iteration_bounds = array<i64: 2, 16>, scalar_prefetch = 0 : i64, scratch_operands = 7 : i64, tpu.core_type = #tpu.core_type<sc_vector_subcore>, window_params = [{transform_indices = #map}, {transform_indices = #map1}, {transform_indices = #map}, {transform_indices = #map}, {transform_indices = #map}]} {
    %mul3A = arith.constant 16 : i32
    %mul3A_0 = arith.muli %arg0, %mul3A : i32
    %add3A = arith.addi %mul3A_0, %arg1 : i32
    %mul3A_1 = arith.constant 640 : i32
    %mul3A_2 = arith.muli %arg1, %mul3A_1 : i32
    %mul3A_3 = arith.constant 640 : i32
    %mul3A_4 = arith.muli %arg1, %mul3A_3 : i32
    "tpu.region"() ({
      %run_scoped3A_58 = tpu.sem_alloc : memref<!tpu.dma_semaphore, #tpu.memory_space<semaphore_mem>>
      %dma_start3A_59 = arith.constant 0 : i32
      %dma_start3A_60 = tpu.memref_slice %arg11[%mul3A_4, %dma_start3A_59] : memref<10240x128xf32, #tpu.memory_space<vmem_shared>> -> memref<640x128xf32, #tpu.memory_space<vmem_shared>>
      %dma_start3A_61 = arith.constant 0 : i32
      %dma_start3A_62 = tpu.memref_slice %arg4[%mul3A_2, %dma_start3A_61] : memref<10240x128xf32, #tpu.memory_space<hbm>> -> memref<640x128xf32, #tpu.memory_space<hbm>>
      tpu.enqueue_dma source(%dma_start3A_62 : memref<640x128xf32, #tpu.memory_space<hbm>>) target(%dma_start3A_60 : memref<640x128xf32, #tpu.memory_space<vmem_shared>>) target_semaphore(%run_scoped3A_58 : memref<!tpu.dma_semaphore, #tpu.memory_space<semaphore_mem>>)
      %dma_wait3A = arith.constant 0 : i32
      %dma_wait3A_63 = tpu.memref_slice %arg11[%mul3A_4, %dma_wait3A] : memref<10240x128xf32, #tpu.memory_space<vmem_shared>> -> memref<640x128xf32, #tpu.memory_space<vmem_shared>>
      %dma_wait3A_64 = arith.constant 0 : i32
      %dma_wait3A_65 = tpu.memref_slice %arg4[%mul3A_2, %dma_wait3A_64] : memref<10240x128xf32, #tpu.memory_space<hbm>> -> memref<640x128xf32, #tpu.memory_space<hbm>>
      tpu.wait_dma2 semaphore(%run_scoped3A_58 : memref<!tpu.dma_semaphore, #tpu.memory_space<semaphore_mem>>) src(%dma_wait3A_65 : memref<640x128xf32, #tpu.memory_space<hbm>>) dst(%dma_wait3A_63 : memref<640x128xf32, #tpu.memory_space<vmem_shared>>)
      tpu.yield
    }) : () -> ()
    %barrier3A = arith.constant 0 : index
    tpu.barrier barrier_id(%barrier3A)
    %run_scoped3A = arith.constant 0 : i32
    %run_scoped3A_5 = arith.constant 0 : i32
    "tpu.region"() ({
      %run_scoped3A_58 = tpu.sem_alloc : memref<!tpu.dma_semaphore, #tpu.memory_space<semaphore_mem>>
      %dma_start3A_59 = arith.constant 0 : i32
      %dma_start3A_60 = arith.constant 0 : i32
      %dma_start3A_61 = tpu.memref_slice %arg3[%run_scoped3A, %add3A, %run_scoped3A_5, %dma_start3A_59, %dma_start3A_60] : memref<2x32x2x50x100xi32, #tpu.memory_space<hbm>> -> memref<1x1x1x50x100xi32, #tpu.memory_space<hbm>>
      %dma_start3A_62 = tpu.memref_squeeze %dma_start3A_61 : memref<1x1x1x50x100xi32, #tpu.memory_space<hbm>> -> memref<50x100xi32, #tpu.memory_space<hbm>>
      %dma_start3A_63 = arith.constant 0 : i32
      %dma_start3A_64 = arith.constant 0 : i32
      %dma_start3A_65 = tpu.memref_slice %arg3[%run_scoped3A, %add3A, %run_scoped3A_5, %dma_start3A_63, %dma_start3A_64] : memref<2x32x2x50x100xi32, #tpu.memory_space<hbm>> -> memref<1x1x1x50x100xi32, #tpu.memory_space<hbm>>
      %dma_start3A_66 = tpu.memref_squeeze %dma_start3A_65 : memref<1x1x1x50x100xi32, #tpu.memory_space<hbm>> -> memref<50x100xi32, #tpu.memory_space<hbm>>
      tpu.enqueue_dma source(%dma_start3A_66 : memref<50x100xi32, #tpu.memory_space<hbm>>) target(%arg7 : memref<50x100xi32, #tpu.memory_space<vmem>>) target_semaphore(%run_scoped3A_58 : memref<!tpu.dma_semaphore, #tpu.memory_space<semaphore_mem>>)
      %dma_wait3A = arith.constant 0 : i32
      %dma_wait3A_67 = arith.constant 0 : i32
      %dma_wait3A_68 = tpu.memref_slice %arg3[%run_scoped3A, %add3A, %run_scoped3A_5, %dma_wait3A, %dma_wait3A_67] : memref<2x32x2x50x100xi32, #tpu.memory_space<hbm>> -> memref<1x1x1x50x100xi32, #tpu.memory_space<hbm>>
      %dma_wait3A_69 = tpu.memref_squeeze %dma_wait3A_68 : memref<1x1x1x50x100xi32, #tpu.memory_space<hbm>> -> memref<50x100xi32, #tpu.memory_space<hbm>>
      %dma_wait3A_70 = arith.constant 0 : i32
      %dma_wait3A_71 = arith.constant 0 : i32
      %dma_wait3A_72 = tpu.memref_slice %arg3[%run_scoped3A, %add3A, %run_scoped3A_5, %dma_wait3A_70, %dma_wait3A_71] : memref<2x32x2x50x100xi32, #tpu.memory_space<hbm>> -> memref<1x1x1x50x100xi32, #tpu.memory_space<hbm>>
      %dma_wait3A_73 = tpu.memref_squeeze %dma_wait3A_72 : memref<1x1x1x50x100xi32, #tpu.memory_space<hbm>> -> memref<50x100xi32, #tpu.memory_space<hbm>>
      tpu.wait_dma2 semaphore(%run_scoped3A_58 : memref<!tpu.dma_semaphore, #tpu.memory_space<semaphore_mem>>) src(%dma_wait3A_73 : memref<50x100xi32, #tpu.memory_space<hbm>>) dst(%arg7 : memref<50x100xi32, #tpu.memory_space<vmem>>)
      tpu.yield
    }) : () -> ()
    %run_scoped3A_6 = arith.constant 1 : i32
    %run_scoped3A_7 = arith.constant 0 : i32
    "tpu.region"() ({
      %run_scoped3A_58 = tpu.sem_alloc : memref<!tpu.dma_semaphore, #tpu.memory_space<semaphore_mem>>
      %dma_start3A_59 = arith.constant 0 : i32
      %dma_start3A_60 = arith.constant 0 : i32
      %dma_start3A_61 = tpu.memref_slice %arg3[%run_scoped3A_6, %add3A, %run_scoped3A_7, %dma_start3A_59, %dma_start3A_60] : memref<2x32x2x50x100xi32, #tpu.memory_space<hbm>> -> memref<1x1x1x50x100xi32, #tpu.memory_space<hbm>>
      %dma_start3A_62 = tpu.memref_squeeze %dma_start3A_61 : memref<1x1x1x50x100xi32, #tpu.memory_space<hbm>> -> memref<50x100xi32, #tpu.memory_space<hbm>>
      %dma_start3A_63 = arith.constant 0 : i32
      %dma_start3A_64 = arith.constant 0 : i32
      %dma_start3A_65 = tpu.memref_slice %arg3[%run_scoped3A_6, %add3A, %run_scoped3A_7, %dma_start3A_63, %dma_start3A_64] : memref<2x32x2x50x100xi32, #tpu.memory_space<hbm>> -> memref<1x1x1x50x100xi32, #tpu.memory_space<hbm>>
      %dma_start3A_66 = tpu.memref_squeeze %dma_start3A_65 : memref<1x1x1x50x100xi32, #tpu.memory_space<hbm>> -> memref<50x100xi32, #tpu.memory_space<hbm>>
      tpu.enqueue_dma source(%dma_start3A_66 : memref<50x100xi32, #tpu.memory_space<hbm>>) target(%arg8 : memref<50x100xi32, #tpu.memory_space<vmem>>) target_semaphore(%run_scoped3A_58 : memref<!tpu.dma_semaphore, #tpu.memory_space<semaphore_mem>>)
      %dma_wait3A = arith.constant 0 : i32
      %dma_wait3A_67 = arith.constant 0 : i32
      %dma_wait3A_68 = tpu.memref_slice %arg3[%run_scoped3A_6, %add3A, %run_scoped3A_7, %dma_wait3A, %dma_wait3A_67] : memref<2x32x2x50x100xi32, #tpu.memory_space<hbm>> -> memref<1x1x1x50x100xi32, #tpu.memory_space<hbm>>
      %dma_wait3A_69 = tpu.memref_squeeze %dma_wait3A_68 : memref<1x1x1x50x100xi32, #tpu.memory_space<hbm>> -> memref<50x100xi32, #tpu.memory_space<hbm>>
      %dma_wait3A_70 = arith.constant 0 : i32
      %dma_wait3A_71 = arith.constant 0 : i32
      %dma_wait3A_72 = tpu.memref_slice %arg3[%run_scoped3A_6, %add3A, %run_scoped3A_7, %dma_wait3A_70, %dma_wait3A_71] : memref<2x32x2x50x100xi32, #tpu.memory_space<hbm>> -> memref<1x1x1x50x100xi32, #tpu.memory_space<hbm>>
      %dma_wait3A_73 = tpu.memref_squeeze %dma_wait3A_72 : memref<1x1x1x50x100xi32, #tpu.memory_space<hbm>> -> memref<50x100xi32, #tpu.memory_space<hbm>>
      tpu.wait_dma2 semaphore(%run_scoped3A_58 : memref<!tpu.dma_semaphore, #tpu.memory_space<semaphore_mem>>) src(%dma_wait3A_73 : memref<50x100xi32, #tpu.memory_space<hbm>>) dst(%arg8 : memref<50x100xi32, #tpu.memory_space<vmem>>)
      tpu.yield
    }) : () -> ()
    %dma_start3A = arith.constant 0 : i32
    %dma_start3A_8 = arith.constant 0 : i32
    %dma_start3A_9 = tpu.memref_slice %arg7[%dma_start3A, %dma_start3A_8] : memref<50x100xi32, #tpu.memory_space<vmem>> -> memref<1x100xi32, #tpu.memory_space<vmem>>
    %dma_start3A_10 = tpu.memref_squeeze %dma_start3A_9 : memref<1x100xi32, #tpu.memory_space<vmem>> -> memref<100xi32, #tpu.memory_space<vmem>>
    %dma_start3A_11 = arith.constant 0 : i32
    %dma_start3A_12 = arith.constant 0 : i32
    %dma_start3A_13 = tpu.memref_slice %arg2[%dma_start3A_11, %dma_start3A_12] : memref<10240x128xf32, #tpu.memory_space<hbm>> -> memref<10240x128xf32, #tpu.memory_space<hbm>>
    tpu.enqueue_indirect_dma source(%dma_start3A_13 : memref<10240x128xf32, #tpu.memory_space<hbm>>) target(%arg9 : memref<100x128xf32, #tpu.memory_space<vmem>>) offsets(%dma_start3A_10 : memref<100xi32, #tpu.memory_space<vmem>>) semaphore(%arg12 : memref<!tpu.dma_semaphore, #tpu.memory_space<semaphore_mem>>)
    %dma_start3A_14 = arith.constant 1 : i32
    %dma_start3A_15 = arith.constant 0 : i32
    %dma_start3A_16 = tpu.memref_slice %arg7[%dma_start3A_14, %dma_start3A_15] : memref<50x100xi32, #tpu.memory_space<vmem>> -> memref<1x100xi32, #tpu.memory_space<vmem>>
    %dma_start3A_17 = tpu.memref_squeeze %dma_start3A_16 : memref<1x100xi32, #tpu.memory_space<vmem>> -> memref<100xi32, #tpu.memory_space<vmem>>
    %dma_start3A_18 = arith.constant 0 : i32
    %dma_start3A_19 = arith.constant 0 : i32
    %dma_start3A_20 = tpu.memref_slice %arg2[%dma_start3A_18, %dma_start3A_19] : memref<10240x128xf32, #tpu.memory_space<hbm>> -> memref<10240x128xf32, #tpu.memory_space<hbm>>
    tpu.enqueue_indirect_dma source(%dma_start3A_20 : memref<10240x128xf32, #tpu.memory_space<hbm>>) target(%arg10 : memref<100x128xf32, #tpu.memory_space<vmem>>) offsets(%dma_start3A_17 : memref<100xi32, #tpu.memory_space<vmem>>) semaphore(%arg13 : memref<!tpu.dma_semaphore, #tpu.memory_space<semaphore_mem>>)
    %scan3A = arith.constant 0 : i32
    %scan3A_21 = arith.constant 25 : i32
    %scan3A_22 = arith.addi %scan3A, %scan3A_21 : i32
    %scan3A_23 = arith.constant 1 : i32
    scf.for %scan3A_58 = %scan3A to %scan3A_22 step %scan3A_23  : i32 {
      %mul3A_59 = arith.constant 1 : i32
      %mul3A_60 = arith.muli %scan3A_58, %mul3A_59 : i32
      %add3A_61 = arith.constant 0 : i32
      %add3A_62 = arith.addi %add3A_61, %mul3A_60 : i32
      %mul3A_63 = arith.constant 2 : i32
      %mul3A_64 = arith.muli %add3A_62, %mul3A_63 : i32
      %add3A_65 = arith.constant 0 : i32
      %add3A_66 = arith.addi %mul3A_64, %add3A_65 : i32
      %dma_wait3A = arith.constant 0 : i32
      %dma_wait3A_67 = tpu.memref_slice %arg7[%add3A_66, %dma_wait3A] : memref<50x100xi32, #tpu.memory_space<vmem>> -> memref<1x100xi32, #tpu.memory_space<vmem>>
      %dma_wait3A_68 = tpu.memref_squeeze %dma_wait3A_67 : memref<1x100xi32, #tpu.memory_space<vmem>> -> memref<100xi32, #tpu.memory_space<vmem>>
      %dma_wait3A_69 = arith.constant 0 : i32
      %dma_wait3A_70 = arith.constant 0 : i32
      %dma_wait3A_71 = tpu.memref_slice %arg2[%dma_wait3A_69, %dma_wait3A_70] : memref<10240x128xf32, #tpu.memory_space<hbm>> -> memref<10240x128xf32, #tpu.memory_space<hbm>>
      tpu.wait_indirect_dma semaphore(%arg12 : memref<!tpu.dma_semaphore, #tpu.memory_space<semaphore_mem>>) src(%dma_wait3A_71 : memref<10240x128xf32, #tpu.memory_space<hbm>>) dst(%arg9 : memref<100x128xf32, #tpu.memory_space<vmem>>)
      "tpu.region"() ({
        %run_scoped3A_91 = tpu.sem_alloc : memref<!tpu.dma_semaphore, #tpu.memory_space<semaphore_mem>>
        %dma_start3A_92 = arith.constant 0 : i32
        %dma_start3A_93 = tpu.memref_slice %arg8[%add3A_66, %dma_start3A_92] : memref<50x100xi32, #tpu.memory_space<vmem>> -> memref<1x100xi32, #tpu.memory_space<vmem>>
        %dma_start3A_94 = tpu.memref_squeeze %dma_start3A_93 : memref<1x100xi32, #tpu.memory_space<vmem>> -> memref<100xi32, #tpu.memory_space<vmem>>
        %dma_start3A_95 = arith.constant 0 : i32
        %dma_start3A_96 = arith.constant 0 : i32
        %dma_start3A_97 = tpu.memref_slice %arg11[%dma_start3A_95, %dma_start3A_96] : memref<10240x128xf32, #tpu.memory_space<vmem_shared>> -> memref<10240x128xf32, #tpu.memory_space<vmem_shared>>
        tpu.enqueue_indirect_dma source(%arg9 : memref<100x128xf32, #tpu.memory_space<vmem>>) target(%dma_start3A_97 : memref<10240x128xf32, #tpu.memory_space<vmem_shared>>) offsets(%dma_start3A_94 : memref<100xi32, #tpu.memory_space<vmem>>) semaphore(%run_scoped3A_91 : memref<!tpu.dma_semaphore, #tpu.memory_space<semaphore_mem>>) {add = true}
        %dma_wait3A_98 = arith.constant 0 : i32
        %dma_wait3A_99 = tpu.memref_slice %arg8[%add3A_66, %dma_wait3A_98] : memref<50x100xi32, #tpu.memory_space<vmem>> -> memref<1x100xi32, #tpu.memory_space<vmem>>
        %dma_wait3A_100 = tpu.memref_squeeze %dma_wait3A_99 : memref<1x100xi32, #tpu.memory_space<vmem>> -> memref<100xi32, #tpu.memory_space<vmem>>
        %dma_wait3A_101 = arith.constant 0 : i32
        %dma_wait3A_102 = arith.constant 0 : i32
        %dma_wait3A_103 = tpu.memref_slice %arg11[%dma_wait3A_101, %dma_wait3A_102] : memref<10240x128xf32, #tpu.memory_space<vmem_shared>> -> memref<10240x128xf32, #tpu.memory_space<vmem_shared>>
        tpu.wait_indirect_dma semaphore(%run_scoped3A_91 : memref<!tpu.dma_semaphore, #tpu.memory_space<semaphore_mem>>) src(%arg9 : memref<100x128xf32, #tpu.memory_space<vmem>>) dst(%dma_wait3A_103 : memref<10240x128xf32, #tpu.memory_space<vmem_shared>>)
        tpu.yield
      }) : () -> ()
      %lt3A = arith.constant 24 : i32
      %lt3A_72 = arith.cmpi slt, %add3A_62, %lt3A : i32
      %convert_element_type3A_73 = arith.extui %lt3A_72 : i1 to i32
      %cond3A_74 = arith.constant 0 : i32
      %cond3A_75 = arith.cmpi ne, %convert_element_type3A_73, %cond3A_74 : i32
      scf.if %cond3A_75 {
        %add3A_91 = arith.constant 2 : i32
        %add3A_92 = arith.addi %add3A_66, %add3A_91 : i32
        %dma_start3A_93 = arith.constant 0 : i32
        %dma_start3A_94 = tpu.memref_slice %arg7[%add3A_92, %dma_start3A_93] : memref<50x100xi32, #tpu.memory_space<vmem>> -> memref<1x100xi32, #tpu.memory_space<vmem>>
        %dma_start3A_95 = tpu.memref_squeeze %dma_start3A_94 : memref<1x100xi32, #tpu.memory_space<vmem>> -> memref<100xi32, #tpu.memory_space<vmem>>
        %dma_start3A_96 = arith.constant 0 : i32
        %dma_start3A_97 = arith.constant 0 : i32
        %dma_start3A_98 = tpu.memref_slice %arg2[%dma_start3A_96, %dma_start3A_97] : memref<10240x128xf32, #tpu.memory_space<hbm>> -> memref<10240x128xf32, #tpu.memory_space<hbm>>
        tpu.enqueue_indirect_dma source(%dma_start3A_98 : memref<10240x128xf32, #tpu.memory_space<hbm>>) target(%arg9 : memref<100x128xf32, #tpu.memory_space<vmem>>) offsets(%dma_start3A_95 : memref<100xi32, #tpu.memory_space<vmem>>) semaphore(%arg12 : memref<!tpu.dma_semaphore, #tpu.memory_space<semaphore_mem>>)
      } else {
      }
      %mul3A_76 = arith.constant 2 : i32
      %mul3A_77 = arith.muli %add3A_62, %mul3A_76 : i32
      %add3A_78 = arith.constant 1 : i32
      %add3A_79 = arith.addi %mul3A_77, %add3A_78 : i32
      %dma_wait3A_80 = arith.constant 0 : i32
      %dma_wait3A_81 = tpu.memref_slice %arg7[%add3A_79, %dma_wait3A_80] : memref<50x100xi32, #tpu.memory_space<vmem>> -> memref<1x100xi32, #tpu.memory_space<vmem>>
      %dma_wait3A_82 = tpu.memref_squeeze %dma_wait3A_81 : memref<1x100xi32, #tpu.memory_space<vmem>> -> memref<100xi32, #tpu.memory_space<vmem>>
      %dma_wait3A_83 = arith.constant 0 : i32
      %dma_wait3A_84 = arith.constant 0 : i32
      %dma_wait3A_85 = tpu.memref_slice %arg2[%dma_wait3A_83, %dma_wait3A_84] : memref<10240x128xf32, #tpu.memory_space<hbm>> -> memref<10240x128xf32, #tpu.memory_space<hbm>>
      tpu.wait_indirect_dma semaphore(%arg13 : memref<!tpu.dma_semaphore, #tpu.memory_space<semaphore_mem>>) src(%dma_wait3A_85 : memref<10240x128xf32, #tpu.memory_space<hbm>>) dst(%arg10 : memref<100x128xf32, #tpu.memory_space<vmem>>)
      "tpu.region"() ({
        %run_scoped3A_91 = tpu.sem_alloc : memref<!tpu.dma_semaphore, #tpu.memory_space<semaphore_mem>>
        %dma_start3A_92 = arith.constant 0 : i32
        %dma_start3A_93 = tpu.memref_slice %arg8[%add3A_79, %dma_start3A_92] : memref<50x100xi32, #tpu.memory_space<vmem>> -> memref<1x100xi32, #tpu.memory_space<vmem>>
        %dma_start3A_94 = tpu.memref_squeeze %dma_start3A_93 : memref<1x100xi32, #tpu.memory_space<vmem>> -> memref<100xi32, #tpu.memory_space<vmem>>
        %dma_start3A_95 = arith.constant 0 : i32
        %dma_start3A_96 = arith.constant 0 : i32
        %dma_start3A_97 = tpu.memref_slice %arg11[%dma_start3A_95, %dma_start3A_96] : memref<10240x128xf32, #tpu.memory_space<vmem_shared>> -> memref<10240x128xf32, #tpu.memory_space<vmem_shared>>
        tpu.enqueue_indirect_dma source(%arg10 : memref<100x128xf32, #tpu.memory_space<vmem>>) target(%dma_start3A_97 : memref<10240x128xf32, #tpu.memory_space<vmem_shared>>) offsets(%dma_start3A_94 : memref<100xi32, #tpu.memory_space<vmem>>) semaphore(%run_scoped3A_91 : memref<!tpu.dma_semaphore, #tpu.memory_space<semaphore_mem>>) {add = true}
        %dma_wait3A_98 = arith.constant 0 : i32
        %dma_wait3A_99 = tpu.memref_slice %arg8[%add3A_79, %dma_wait3A_98] : memref<50x100xi32, #tpu.memory_space<vmem>> -> memref<1x100xi32, #tpu.memory_space<vmem>>
        %dma_wait3A_100 = tpu.memref_squeeze %dma_wait3A_99 : memref<1x100xi32, #tpu.memory_space<vmem>> -> memref<100xi32, #tpu.memory_space<vmem>>
        %dma_wait3A_101 = arith.constant 0 : i32
        %dma_wait3A_102 = arith.constant 0 : i32
        %dma_wait3A_103 = tpu.memref_slice %arg11[%dma_wait3A_101, %dma_wait3A_102] : memref<10240x128xf32, #tpu.memory_space<vmem_shared>> -> memref<10240x128xf32, #tpu.memory_space<vmem_shared>>
        tpu.wait_indirect_dma semaphore(%run_scoped3A_91 : memref<!tpu.dma_semaphore, #tpu.memory_space<semaphore_mem>>) src(%arg10 : memref<100x128xf32, #tpu.memory_space<vmem>>) dst(%dma_wait3A_103 : memref<10240x128xf32, #tpu.memory_space<vmem_shared>>)
        tpu.yield
      }) : () -> ()
      %lt3A_86 = arith.constant 24 : i32
      %lt3A_87 = arith.cmpi slt, %add3A_62, %lt3A_86 : i32
      %convert_element_type3A_88 = arith.extui %lt3A_87 : i1 to i32
      %cond3A_89 = arith.constant 0 : i32
      %cond3A_90 = arith.cmpi ne, %convert_element_type3A_88, %cond3A_89 : i32
      scf.if %cond3A_90 {
        %add3A_91 = arith.constant 2 : i32
        %add3A_92 = arith.addi %add3A_79, %add3A_91 : i32
        %dma_start3A_93 = arith.constant 0 : i32
        %dma_start3A_94 = tpu.memref_slice %arg7[%add3A_92, %dma_start3A_93] : memref<50x100xi32, #tpu.memory_space<vmem>> -> memref<1x100xi32, #tpu.memory_space<vmem>>
        %dma_start3A_95 = tpu.memref_squeeze %dma_start3A_94 : memref<1x100xi32, #tpu.memory_space<vmem>> -> memref<100xi32, #tpu.memory_space<vmem>>
        %dma_start3A_96 = arith.constant 0 : i32
        %dma_start3A_97 = arith.constant 0 : i32
        %dma_start3A_98 = tpu.memref_slice %arg2[%dma_start3A_96, %dma_start3A_97] : memref<10240x128xf32, #tpu.memory_space<hbm>> -> memref<10240x128xf32, #tpu.memory_space<hbm>>
        tpu.enqueue_indirect_dma source(%dma_start3A_98 : memref<10240x128xf32, #tpu.memory_space<hbm>>) target(%arg10 : memref<100x128xf32, #tpu.memory_space<vmem>>) offsets(%dma_start3A_95 : memref<100xi32, #tpu.memory_space<vmem>>) semaphore(%arg13 : memref<!tpu.dma_semaphore, #tpu.memory_space<semaphore_mem>>)
      } else {
      }
    }
    %scan3A_24 = arith.constant 25 : i32
    %run_scoped3A_25 = arith.constant 0 : i32
    %run_scoped3A_26 = arith.constant 1 : i32
    "tpu.region"() ({
      %run_scoped3A_58 = tpu.sem_alloc : memref<!tpu.dma_semaphore, #tpu.memory_space<semaphore_mem>>
      %dma_start3A_59 = arith.constant 0 : i32
      %dma_start3A_60 = arith.constant 0 : i32
      %dma_start3A_61 = tpu.memref_slice %arg3[%run_scoped3A_25, %add3A, %run_scoped3A_26, %dma_start3A_59, %dma_start3A_60] : memref<2x32x2x50x100xi32, #tpu.memory_space<hbm>> -> memref<1x1x1x50x100xi32, #tpu.memory_space<hbm>>
      %dma_start3A_62 = tpu.memref_squeeze %dma_start3A_61 : memref<1x1x1x50x100xi32, #tpu.memory_space<hbm>> -> memref<50x100xi32, #tpu.memory_space<hbm>>
      %dma_start3A_63 = arith.constant 0 : i32
      %dma_start3A_64 = arith.constant 0 : i32
      %dma_start3A_65 = tpu.memref_slice %arg3[%run_scoped3A_25, %add3A, %run_scoped3A_26, %dma_start3A_63, %dma_start3A_64] : memref<2x32x2x50x100xi32, #tpu.memory_space<hbm>> -> memref<1x1x1x50x100xi32, #tpu.memory_space<hbm>>
      %dma_start3A_66 = tpu.memref_squeeze %dma_start3A_65 : memref<1x1x1x50x100xi32, #tpu.memory_space<hbm>> -> memref<50x100xi32, #tpu.memory_space<hbm>>
      tpu.enqueue_dma source(%dma_start3A_66 : memref<50x100xi32, #tpu.memory_space<hbm>>) target(%arg7 : memref<50x100xi32, #tpu.memory_space<vmem>>) target_semaphore(%run_scoped3A_58 : memref<!tpu.dma_semaphore, #tpu.memory_space<semaphore_mem>>)
      %dma_wait3A = arith.constant 0 : i32
      %dma_wait3A_67 = arith.constant 0 : i32
      %dma_wait3A_68 = tpu.memref_slice %arg3[%run_scoped3A_25, %add3A, %run_scoped3A_26, %dma_wait3A, %dma_wait3A_67] : memref<2x32x2x50x100xi32, #tpu.memory_space<hbm>> -> memref<1x1x1x50x100xi32, #tpu.memory_space<hbm>>
      %dma_wait3A_69 = tpu.memref_squeeze %dma_wait3A_68 : memref<1x1x1x50x100xi32, #tpu.memory_space<hbm>> -> memref<50x100xi32, #tpu.memory_space<hbm>>
      %dma_wait3A_70 = arith.constant 0 : i32
      %dma_wait3A_71 = arith.constant 0 : i32
      %dma_wait3A_72 = tpu.memref_slice %arg3[%run_scoped3A_25, %add3A, %run_scoped3A_26, %dma_wait3A_70, %dma_wait3A_71] : memref<2x32x2x50x100xi32, #tpu.memory_space<hbm>> -> memref<1x1x1x50x100xi32, #tpu.memory_space<hbm>>
      %dma_wait3A_73 = tpu.memref_squeeze %dma_wait3A_72 : memref<1x1x1x50x100xi32, #tpu.memory_space<hbm>> -> memref<50x100xi32, #tpu.memory_space<hbm>>
      tpu.wait_dma2 semaphore(%run_scoped3A_58 : memref<!tpu.dma_semaphore, #tpu.memory_space<semaphore_mem>>) src(%dma_wait3A_73 : memref<50x100xi32, #tpu.memory_space<hbm>>) dst(%arg7 : memref<50x100xi32, #tpu.memory_space<vmem>>)
      tpu.yield
    }) : () -> ()
    %run_scoped3A_27 = arith.constant 1 : i32
    %run_scoped3A_28 = arith.constant 1 : i32
    "tpu.region"() ({
      %run_scoped3A_58 = tpu.sem_alloc : memref<!tpu.dma_semaphore, #tpu.memory_space<semaphore_mem>>
      %dma_start3A_59 = arith.constant 0 : i32
      %dma_start3A_60 = arith.constant 0 : i32
      %dma_start3A_61 = tpu.memref_slice %arg3[%run_scoped3A_27, %add3A, %run_scoped3A_28, %dma_start3A_59, %dma_start3A_60] : memref<2x32x2x50x100xi32, #tpu.memory_space<hbm>> -> memref<1x1x1x50x100xi32, #tpu.memory_space<hbm>>
      %dma_start3A_62 = tpu.memref_squeeze %dma_start3A_61 : memref<1x1x1x50x100xi32, #tpu.memory_space<hbm>> -> memref<50x100xi32, #tpu.memory_space<hbm>>
      %dma_start3A_63 = arith.constant 0 : i32
      %dma_start3A_64 = arith.constant 0 : i32
      %dma_start3A_65 = tpu.memref_slice %arg3[%run_scoped3A_27, %add3A, %run_scoped3A_28, %dma_start3A_63, %dma_start3A_64] : memref<2x32x2x50x100xi32, #tpu.memory_space<hbm>> -> memref<1x1x1x50x100xi32, #tpu.memory_space<hbm>>
      %dma_start3A_66 = tpu.memref_squeeze %dma_start3A_65 : memref<1x1x1x50x100xi32, #tpu.memory_space<hbm>> -> memref<50x100xi32, #tpu.memory_space<hbm>>
      tpu.enqueue_dma source(%dma_start3A_66 : memref<50x100xi32, #tpu.memory_space<hbm>>) target(%arg8 : memref<50x100xi32, #tpu.memory_space<vmem>>) target_semaphore(%run_scoped3A_58 : memref<!tpu.dma_semaphore, #tpu.memory_space<semaphore_mem>>)
      %dma_wait3A = arith.constant 0 : i32
      %dma_wait3A_67 = arith.constant 0 : i32
      %dma_wait3A_68 = tpu.memref_slice %arg3[%run_scoped3A_27, %add3A, %run_scoped3A_28, %dma_wait3A, %dma_wait3A_67] : memref<2x32x2x50x100xi32, #tpu.memory_space<hbm>> -> memref<1x1x1x50x100xi32, #tpu.memory_space<hbm>>
      %dma_wait3A_69 = tpu.memref_squeeze %dma_wait3A_68 : memref<1x1x1x50x100xi32, #tpu.memory_space<hbm>> -> memref<50x100xi32, #tpu.memory_space<hbm>>
      %dma_wait3A_70 = arith.constant 0 : i32
      %dma_wait3A_71 = arith.constant 0 : i32
      %dma_wait3A_72 = tpu.memref_slice %arg3[%run_scoped3A_27, %add3A, %run_scoped3A_28, %dma_wait3A_70, %dma_wait3A_71] : memref<2x32x2x50x100xi32, #tpu.memory_space<hbm>> -> memref<1x1x1x50x100xi32, #tpu.memory_space<hbm>>
      %dma_wait3A_73 = tpu.memref_squeeze %dma_wait3A_72 : memref<1x1x1x50x100xi32, #tpu.memory_space<hbm>> -> memref<50x100xi32, #tpu.memory_space<hbm>>
      tpu.wait_dma2 semaphore(%run_scoped3A_58 : memref<!tpu.dma_semaphore, #tpu.memory_space<semaphore_mem>>) src(%dma_wait3A_73 : memref<50x100xi32, #tpu.memory_space<hbm>>) dst(%arg8 : memref<50x100xi32, #tpu.memory_space<vmem>>)
      tpu.yield
    }) : () -> ()
    %dma_start3A_29 = arith.constant 0 : i32
    %dma_start3A_30 = arith.constant 0 : i32
    %dma_start3A_31 = tpu.memref_slice %arg7[%dma_start3A_29, %dma_start3A_30] : memref<50x100xi32, #tpu.memory_space<vmem>> -> memref<1x100xi32, #tpu.memory_space<vmem>>
    %dma_start3A_32 = tpu.memref_squeeze %dma_start3A_31 : memref<1x100xi32, #tpu.memory_space<vmem>> -> memref<100xi32, #tpu.memory_space<vmem>>
    %dma_start3A_33 = arith.constant 0 : i32
    %dma_start3A_34 = arith.constant 0 : i32
    %dma_start3A_35 = tpu.memref_slice %arg2[%dma_start3A_33, %dma_start3A_34] : memref<10240x128xf32, #tpu.memory_space<hbm>> -> memref<10240x128xf32, #tpu.memory_space<hbm>>
    tpu.enqueue_indirect_dma source(%dma_start3A_35 : memref<10240x128xf32, #tpu.memory_space<hbm>>) target(%arg9 : memref<100x128xf32, #tpu.memory_space<vmem>>) offsets(%dma_start3A_32 : memref<100xi32, #tpu.memory_space<vmem>>) semaphore(%arg12 : memref<!tpu.dma_semaphore, #tpu.memory_space<semaphore_mem>>)
    %dma_start3A_36 = arith.constant 1 : i32
    %dma_start3A_37 = arith.constant 0 : i32
    %dma_start3A_38 = tpu.memref_slice %arg7[%dma_start3A_36, %dma_start3A_37] : memref<50x100xi32, #tpu.memory_space<vmem>> -> memref<1x100xi32, #tpu.memory_space<vmem>>
    %dma_start3A_39 = tpu.memref_squeeze %dma_start3A_38 : memref<1x100xi32, #tpu.memory_space<vmem>> -> memref<100xi32, #tpu.memory_space<vmem>>
    %dma_start3A_40 = arith.constant 0 : i32
    %dma_start3A_41 = arith.constant 0 : i32
    %dma_start3A_42 = tpu.memref_slice %arg2[%dma_start3A_40, %dma_start3A_41] : memref<10240x128xf32, #tpu.memory_space<hbm>> -> memref<10240x128xf32, #tpu.memory_space<hbm>>
    tpu.enqueue_indirect_dma source(%dma_start3A_42 : memref<10240x128xf32, #tpu.memory_space<hbm>>) target(%arg10 : memref<100x128xf32, #tpu.memory_space<vmem>>) offsets(%dma_start3A_39 : memref<100xi32, #tpu.memory_space<vmem>>) semaphore(%arg13 : memref<!tpu.dma_semaphore, #tpu.memory_space<semaphore_mem>>)
    %scan3A_43 = arith.constant 0 : i32
    %scan3A_44 = arith.constant 25 : i32
    %scan3A_45 = arith.addi %scan3A_43, %scan3A_44 : i32
    %scan3A_46 = arith.constant 1 : i32
    scf.for %scan3A_58 = %scan3A_43 to %scan3A_45 step %scan3A_46  : i32 {
      %mul3A_59 = arith.constant 1 : i32
      %mul3A_60 = arith.muli %scan3A_58, %mul3A_59 : i32
      %add3A_61 = arith.constant 0 : i32
      %add3A_62 = arith.addi %add3A_61, %mul3A_60 : i32
      %mul3A_63 = arith.constant 2 : i32
      %mul3A_64 = arith.muli %add3A_62, %mul3A_63 : i32
      %add3A_65 = arith.constant 0 : i32
      %add3A_66 = arith.addi %mul3A_64, %add3A_65 : i32
      %dma_wait3A = arith.constant 0 : i32
      %dma_wait3A_67 = tpu.memref_slice %arg7[%add3A_66, %dma_wait3A] : memref<50x100xi32, #tpu.memory_space<vmem>> -> memref<1x100xi32, #tpu.memory_space<vmem>>
      %dma_wait3A_68 = tpu.memref_squeeze %dma_wait3A_67 : memref<1x100xi32, #tpu.memory_space<vmem>> -> memref<100xi32, #tpu.memory_space<vmem>>
      %dma_wait3A_69 = arith.constant 0 : i32
      %dma_wait3A_70 = arith.constant 0 : i32
      %dma_wait3A_71 = tpu.memref_slice %arg2[%dma_wait3A_69, %dma_wait3A_70] : memref<10240x128xf32, #tpu.memory_space<hbm>> -> memref<10240x128xf32, #tpu.memory_space<hbm>>
      tpu.wait_indirect_dma semaphore(%arg12 : memref<!tpu.dma_semaphore, #tpu.memory_space<semaphore_mem>>) src(%dma_wait3A_71 : memref<10240x128xf32, #tpu.memory_space<hbm>>) dst(%arg9 : memref<100x128xf32, #tpu.memory_space<vmem>>)
      "tpu.region"() ({
        %run_scoped3A_91 = tpu.sem_alloc : memref<!tpu.dma_semaphore, #tpu.memory_space<semaphore_mem>>
        %dma_start3A_92 = arith.constant 0 : i32
        %dma_start3A_93 = tpu.memref_slice %arg8[%add3A_66, %dma_start3A_92] : memref<50x100xi32, #tpu.memory_space<vmem>> -> memref<1x100xi32, #tpu.memory_space<vmem>>
        %dma_start3A_94 = tpu.memref_squeeze %dma_start3A_93 : memref<1x100xi32, #tpu.memory_space<vmem>> -> memref<100xi32, #tpu.memory_space<vmem>>
        %dma_start3A_95 = arith.constant 0 : i32
        %dma_start3A_96 = arith.constant 0 : i32
        %dma_start3A_97 = tpu.memref_slice %arg11[%dma_start3A_95, %dma_start3A_96] : memref<10240x128xf32, #tpu.memory_space<vmem_shared>> -> memref<10240x128xf32, #tpu.memory_space<vmem_shared>>
        tpu.enqueue_indirect_dma source(%arg9 : memref<100x128xf32, #tpu.memory_space<vmem>>) target(%dma_start3A_97 : memref<10240x128xf32, #tpu.memory_space<vmem_shared>>) offsets(%dma_start3A_94 : memref<100xi32, #tpu.memory_space<vmem>>) semaphore(%run_scoped3A_91 : memref<!tpu.dma_semaphore, #tpu.memory_space<semaphore_mem>>) {add = true}
        %dma_wait3A_98 = arith.constant 0 : i32
        %dma_wait3A_99 = tpu.memref_slice %arg8[%add3A_66, %dma_wait3A_98] : memref<50x100xi32, #tpu.memory_space<vmem>> -> memref<1x100xi32, #tpu.memory_space<vmem>>
        %dma_wait3A_100 = tpu.memref_squeeze %dma_wait3A_99 : memref<1x100xi32, #tpu.memory_space<vmem>> -> memref<100xi32, #tpu.memory_space<vmem>>
        %dma_wait3A_101 = arith.constant 0 : i32
        %dma_wait3A_102 = arith.constant 0 : i32
        %dma_wait3A_103 = tpu.memref_slice %arg11[%dma_wait3A_101, %dma_wait3A_102] : memref<10240x128xf32, #tpu.memory_space<vmem_shared>> -> memref<10240x128xf32, #tpu.memory_space<vmem_shared>>
        tpu.wait_indirect_dma semaphore(%run_scoped3A_91 : memref<!tpu.dma_semaphore, #tpu.memory_space<semaphore_mem>>) src(%arg9 : memref<100x128xf32, #tpu.memory_space<vmem>>) dst(%dma_wait3A_103 : memref<10240x128xf32, #tpu.memory_space<vmem_shared>>)
        tpu.yield
      }) : () -> ()
      %lt3A = arith.constant 24 : i32
      %lt3A_72 = arith.cmpi slt, %add3A_62, %lt3A : i32
      %convert_element_type3A_73 = arith.extui %lt3A_72 : i1 to i32
      %cond3A_74 = arith.constant 0 : i32
      %cond3A_75 = arith.cmpi ne, %convert_element_type3A_73, %cond3A_74 : i32
      scf.if %cond3A_75 {
        %add3A_91 = arith.constant 2 : i32
        %add3A_92 = arith.addi %add3A_66, %add3A_91 : i32
        %dma_start3A_93 = arith.constant 0 : i32
        %dma_start3A_94 = tpu.memref_slice %arg7[%add3A_92, %dma_start3A_93] : memref<50x100xi32, #tpu.memory_space<vmem>> -> memref<1x100xi32, #tpu.memory_space<vmem>>
        %dma_start3A_95 = tpu.memref_squeeze %dma_start3A_94 : memref<1x100xi32, #tpu.memory_space<vmem>> -> memref<100xi32, #tpu.memory_space<vmem>>
        %dma_start3A_96 = arith.constant 0 : i32
        %dma_start3A_97 = arith.constant 0 : i32
        %dma_start3A_98 = tpu.memref_slice %arg2[%dma_start3A_96, %dma_start3A_97] : memref<10240x128xf32, #tpu.memory_space<hbm>> -> memref<10240x128xf32, #tpu.memory_space<hbm>>
        tpu.enqueue_indirect_dma source(%dma_start3A_98 : memref<10240x128xf32, #tpu.memory_space<hbm>>) target(%arg9 : memref<100x128xf32, #tpu.memory_space<vmem>>) offsets(%dma_start3A_95 : memref<100xi32, #tpu.memory_space<vmem>>) semaphore(%arg12 : memref<!tpu.dma_semaphore, #tpu.memory_space<semaphore_mem>>)
      } else {
      }
      %mul3A_76 = arith.constant 2 : i32
      %mul3A_77 = arith.muli %add3A_62, %mul3A_76 : i32
      %add3A_78 = arith.constant 1 : i32
      %add3A_79 = arith.addi %mul3A_77, %add3A_78 : i32
      %dma_wait3A_80 = arith.constant 0 : i32
      %dma_wait3A_81 = tpu.memref_slice %arg7[%add3A_79, %dma_wait3A_80] : memref<50x100xi32, #tpu.memory_space<vmem>> -> memref<1x100xi32, #tpu.memory_space<vmem>>
      %dma_wait3A_82 = tpu.memref_squeeze %dma_wait3A_81 : memref<1x100xi32, #tpu.memory_space<vmem>> -> memref<100xi32, #tpu.memory_space<vmem>>
      %dma_wait3A_83 = arith.constant 0 : i32
      %dma_wait3A_84 = arith.constant 0 : i32
      %dma_wait3A_85 = tpu.memref_slice %arg2[%dma_wait3A_83, %dma_wait3A_84] : memref<10240x128xf32, #tpu.memory_space<hbm>> -> memref<10240x128xf32, #tpu.memory_space<hbm>>
      tpu.wait_indirect_dma semaphore(%arg13 : memref<!tpu.dma_semaphore, #tpu.memory_space<semaphore_mem>>) src(%dma_wait3A_85 : memref<10240x128xf32, #tpu.memory_space<hbm>>) dst(%arg10 : memref<100x128xf32, #tpu.memory_space<vmem>>)
      "tpu.region"() ({
        %run_scoped3A_91 = tpu.sem_alloc : memref<!tpu.dma_semaphore, #tpu.memory_space<semaphore_mem>>
        %dma_start3A_92 = arith.constant 0 : i32
        %dma_start3A_93 = tpu.memref_slice %arg8[%add3A_79, %dma_start3A_92] : memref<50x100xi32, #tpu.memory_space<vmem>> -> memref<1x100xi32, #tpu.memory_space<vmem>>
        %dma_start3A_94 = tpu.memref_squeeze %dma_start3A_93 : memref<1x100xi32, #tpu.memory_space<vmem>> -> memref<100xi32, #tpu.memory_space<vmem>>
        %dma_start3A_95 = arith.constant 0 : i32
        %dma_start3A_96 = arith.constant 0 : i32
        %dma_start3A_97 = tpu.memref_slice %arg11[%dma_start3A_95, %dma_start3A_96] : memref<10240x128xf32, #tpu.memory_space<vmem_shared>> -> memref<10240x128xf32, #tpu.memory_space<vmem_shared>>
        tpu.enqueue_indirect_dma source(%arg10 : memref<100x128xf32, #tpu.memory_space<vmem>>) target(%dma_start3A_97 : memref<10240x128xf32, #tpu.memory_space<vmem_shared>>) offsets(%dma_start3A_94 : memref<100xi32, #tpu.memory_space<vmem>>) semaphore(%run_scoped3A_91 : memref<!tpu.dma_semaphore, #tpu.memory_space<semaphore_mem>>) {add = true}
        %dma_wait3A_98 = arith.constant 0 : i32
        %dma_wait3A_99 = tpu.memref_slice %arg8[%add3A_79, %dma_wait3A_98] : memref<50x100xi32, #tpu.memory_space<vmem>> -> memref<1x100xi32, #tpu.memory_space<vmem>>
        %dma_wait3A_100 = tpu.memref_squeeze %dma_wait3A_99 : memref<1x100xi32, #tpu.memory_space<vmem>> -> memref<100xi32, #tpu.memory_space<vmem>>
        %dma_wait3A_101 = arith.constant 0 : i32
        %dma_wait3A_102 = arith.constant 0 : i32
        %dma_wait3A_103 = tpu.memref_slice %arg11[%dma_wait3A_101, %dma_wait3A_102] : memref<10240x128xf32, #tpu.memory_space<vmem_shared>> -> memref<10240x128xf32, #tpu.memory_space<vmem_shared>>
        tpu.wait_indirect_dma semaphore(%run_scoped3A_91 : memref<!tpu.dma_semaphore, #tpu.memory_space<semaphore_mem>>) src(%arg10 : memref<100x128xf32, #tpu.memory_space<vmem>>) dst(%dma_wait3A_103 : memref<10240x128xf32, #tpu.memory_space<vmem_shared>>)
        tpu.yield
      }) : () -> ()
      %lt3A_86 = arith.constant 24 : i32
      %lt3A_87 = arith.cmpi slt, %add3A_62, %lt3A_86 : i32
      %convert_element_type3A_88 = arith.extui %lt3A_87 : i1 to i32
      %cond3A_89 = arith.constant 0 : i32
      %cond3A_90 = arith.cmpi ne, %convert_element_type3A_88, %cond3A_89 : i32
      scf.if %cond3A_90 {
        %add3A_91 = arith.constant 2 : i32
        %add3A_92 = arith.addi %add3A_79, %add3A_91 : i32
        %dma_start3A_93 = arith.constant 0 : i32
        %dma_start3A_94 = tpu.memref_slice %arg7[%add3A_92, %dma_start3A_93] : memref<50x100xi32, #tpu.memory_space<vmem>> -> memref<1x100xi32, #tpu.memory_space<vmem>>
        %dma_start3A_95 = tpu.memref_squeeze %dma_start3A_94 : memref<1x100xi32, #tpu.memory_space<vmem>> -> memref<100xi32, #tpu.memory_space<vmem>>
        %dma_start3A_96 = arith.constant 0 : i32
        %dma_start3A_97 = arith.constant 0 : i32
        %dma_start3A_98 = tpu.memref_slice %arg2[%dma_start3A_96, %dma_start3A_97] : memref<10240x128xf32, #tpu.memory_space<hbm>> -> memref<10240x128xf32, #tpu.memory_space<hbm>>
        tpu.enqueue_indirect_dma source(%dma_start3A_98 : memref<10240x128xf32, #tpu.memory_space<hbm>>) target(%arg10 : memref<100x128xf32, #tpu.memory_space<vmem>>) offsets(%dma_start3A_95 : memref<100xi32, #tpu.memory_space<vmem>>) semaphore(%arg13 : memref<!tpu.dma_semaphore, #tpu.memory_space<semaphore_mem>>)
      } else {
      }
    }
    %scan3A_47 = arith.constant 25 : i32
    %barrier3A_48 = arith.constant 0 : index
    tpu.barrier barrier_id(%barrier3A_48)
    %mul3A_49 = arith.constant 640 : i32
    %mul3A_50 = arith.muli %arg1, %mul3A_49 : i32
    %eq3A = arith.constant 0 : i32
    %eq3A_51 = arith.cmpi eq, %arg0, %eq3A : i32
    %convert_element_type3A = arith.extui %eq3A_51 : i1 to i32
    %cond3A = arith.constant 0 : i32
    %cond3A_52 = arith.cmpi ne, %convert_element_type3A, %cond3A : i32
    scf.if %cond3A_52 {
      "tpu.region"() ({
        %run_scoped3A_58 = tpu.sem_alloc : memref<!tpu.dma_semaphore, #tpu.memory_space<semaphore_mem>>
        %dma_start3A_59 = arith.constant 0 : i32
        %dma_start3A_60 = tpu.memref_slice %arg5[%mul3A_50, %dma_start3A_59] : memref<10240x128xf32, #tpu.memory_space<hbm>> -> memref<640x128xf32, #tpu.memory_space<hbm>>
        %dma_start3A_61 = arith.constant 0 : i32
        %dma_start3A_62 = tpu.memref_slice %arg11[%mul3A_50, %dma_start3A_61] : memref<10240x128xf32, #tpu.memory_space<vmem_shared>> -> memref<640x128xf32, #tpu.memory_space<vmem_shared>>
        tpu.enqueue_dma source(%dma_start3A_62 : memref<640x128xf32, #tpu.memory_space<vmem_shared>>) target(%dma_start3A_60 : memref<640x128xf32, #tpu.memory_space<hbm>>) target_semaphore(%run_scoped3A_58 : memref<!tpu.dma_semaphore, #tpu.memory_space<semaphore_mem>>)
        %dma_wait3A = arith.constant 0 : i32
        %dma_wait3A_63 = tpu.memref_slice %arg5[%mul3A_50, %dma_wait3A] : memref<10240x128xf32, #tpu.memory_space<hbm>> -> memref<640x128xf32, #tpu.memory_space<hbm>>
        %dma_wait3A_64 = arith.constant 0 : i32
        %dma_wait3A_65 = tpu.memref_slice %arg11[%mul3A_50, %dma_wait3A_64] : memref<10240x128xf32, #tpu.memory_space<vmem_shared>> -> memref<640x128xf32, #tpu.memory_space<vmem_shared>>
        tpu.wait_dma2 semaphore(%run_scoped3A_58 : memref<!tpu.dma_semaphore, #tpu.memory_space<semaphore_mem>>) src(%dma_wait3A_65 : memref<640x128xf32, #tpu.memory_space<vmem_shared>>) dst(%dma_wait3A_63 : memref<640x128xf32, #tpu.memory_space<hbm>>)
        tpu.yield
      }) : () -> ()
    } else {
    }
    %eq3A_53 = arith.constant 1 : i32
    %eq3A_54 = arith.cmpi eq, %arg0, %eq3A_53 : i32
    %convert_element_type3A_55 = arith.extui %eq3A_54 : i1 to i32
    %cond3A_56 = arith.constant 0 : i32
    %cond3A_57 = arith.cmpi ne, %convert_element_type3A_55, %cond3A_56 : i32
    scf.if %cond3A_57 {
      "tpu.region"() ({
        %run_scoped3A_58 = tpu.sem_alloc : memref<!tpu.dma_semaphore, #tpu.memory_space<semaphore_mem>>
        %dma_start3A_59 = arith.constant 0 : i32
        %dma_start3A_60 = tpu.memref_slice %arg6[%mul3A_50, %dma_start3A_59] : memref<10240x128xf32, #tpu.memory_space<hbm>> -> memref<640x128xf32, #tpu.memory_space<hbm>>
        %dma_start3A_61 = arith.constant 0 : i32
        %dma_start3A_62 = tpu.memref_slice %arg11[%mul3A_50, %dma_start3A_61] : memref<10240x128xf32, #tpu.memory_space<vmem_shared>> -> memref<640x128xf32, #tpu.memory_space<vmem_shared>>
        tpu.enqueue_dma source(%dma_start3A_62 : memref<640x128xf32, #tpu.memory_space<vmem_shared>>) target(%dma_start3A_60 : memref<640x128xf32, #tpu.memory_space<hbm>>) target_semaphore(%run_scoped3A_58 : memref<!tpu.dma_semaphore, #tpu.memory_space<semaphore_mem>>)
        %dma_wait3A = arith.constant 0 : i32
        %dma_wait3A_63 = tpu.memref_slice %arg6[%mul3A_50, %dma_wait3A] : memref<10240x128xf32, #tpu.memory_space<hbm>> -> memref<640x128xf32, #tpu.memory_space<hbm>>
        %dma_wait3A_64 = arith.constant 0 : i32
        %dma_wait3A_65 = tpu.memref_slice %arg11[%mul3A_50, %dma_wait3A_64] : memref<10240x128xf32, #tpu.memory_space<vmem_shared>> -> memref<640x128xf32, #tpu.memory_space<vmem_shared>>
        tpu.wait_dma2 semaphore(%run_scoped3A_58 : memref<!tpu.dma_semaphore, #tpu.memory_space<semaphore_mem>>) src(%dma_wait3A_65 : memref<640x128xf32, #tpu.memory_space<vmem_shared>>) dst(%dma_wait3A_63 : memref<640x128xf32, #tpu.memory_space<hbm>>)
        tpu.yield
      }) : () -> ()
    } else {
    }
    return
  }
}

#map = affine_map<(d0, d1) -> (0)>
module attributes {stable_mosaic.version = 14 : i64} {
  func.func @_hist_body(%arg0: i32, %arg1: i32, %arg2: memref<640000xi32, #tpu.memory_space<hbm>>, %arg3: memref<327680xf32, #tpu.memory_space<hbm>>, %arg4: memref<10240xf32, #tpu.memory_space<vmem>>, %arg5: memref<10000xi32, #tpu.memory_space<vmem>>) attributes {dimension_semantics = [#tpu.dimension_semantics<core_parallel>, #tpu.dimension_semantics<subcore_parallel>], iteration_bounds = array<i64: 2, 16>, scalar_prefetch = 0 : i64, scratch_operands = 2 : i64, tpu.core_type = #tpu.core_type<sc_vector_subcore>, window_params = [{transform_indices = #map}, {transform_indices = #map}]} {
    %mul3A = arith.constant 16 : i32
    %mul3A_0 = arith.muli %arg0, %mul3A : i32
    %add3A = arith.addi %mul3A_0, %arg1 : i32
    %scan3A = arith.constant 0 : i32
    %scan3A_1 = arith.constant 640 : i32
    %scan3A_2 = arith.addi %scan3A, %scan3A_1 : i32
    %scan3A_3 = arith.constant 1 : i32
    scf.for %scan3A_16 = %scan3A to %scan3A_2 step %scan3A_3  : i32 {
      %mul3A_17 = arith.constant 1 : i32
      %mul3A_18 = arith.muli %scan3A_16, %mul3A_17 : i32
      %add3A_19 = arith.constant 0 : i32
      %add3A_20 = arith.addi %add3A_19, %mul3A_18 : i32
      %broadcast_in_dim3A = arith.constant 0.000000e+00 : f32
      %broadcast_in_dim3A_21 = vector.broadcast %broadcast_in_dim3A : f32 to vector<16xf32>
      %mul3A_22 = arith.constant 16 : i32
      %mul3A_23 = arith.muli %add3A_20, %mul3A_22 : i32
      %swap3A = arith.index_cast %mul3A_23 : i32 to index
      %swap3A_24 = tpu.vector_load %arg4[%swap3A] {strides = array<i32>} : memref<10240xf32, #tpu.memory_space<vmem>>, vector<16xf32>,
      tpu.vector_store %arg4[%swap3A], %broadcast_in_dim3A_21 {strides = array<i32>} : memref<10240xf32, #tpu.memory_space<vmem>>, vector<16xf32>,
    }
    %scan3A_4 = arith.constant 640 : i32
    %mul3A_5 = arith.constant 10000 : i32
    %mul3A_6 = arith.muli %add3A, %mul3A_5 : i32
    %add3A_7 = arith.constant 320000 : i32
    %add3A_8 = arith.addi %add3A_7, %mul3A_6 : i32
    "tpu.region"() ({
      %run_scoped3A = tpu.sem_alloc : memref<!tpu.dma_semaphore, #tpu.memory_space<semaphore_mem>>
      %dma_start3A = tpu.memref_slice %arg2[%add3A_8] : memref<640000xi32, #tpu.memory_space<hbm>> -> memref<10000xi32, #tpu.memory_space<hbm>>
      %dma_start3A_16 = tpu.memref_slice %arg2[%add3A_8] : memref<640000xi32, #tpu.memory_space<hbm>> -> memref<10000xi32, #tpu.memory_space<hbm>>
      tpu.enqueue_dma source(%dma_start3A_16 : memref<10000xi32, #tpu.memory_space<hbm>>) target(%arg5 : memref<10000xi32, #tpu.memory_space<vmem>>) target_semaphore(%run_scoped3A : memref<!tpu.dma_semaphore, #tpu.memory_space<semaphore_mem>>)
      %dma_wait3A = tpu.memref_slice %arg2[%add3A_8] : memref<640000xi32, #tpu.memory_space<hbm>> -> memref<10000xi32, #tpu.memory_space<hbm>>
      %dma_wait3A_17 = tpu.memref_slice %arg2[%add3A_8] : memref<640000xi32, #tpu.memory_space<hbm>> -> memref<10000xi32, #tpu.memory_space<hbm>>
      tpu.wait_dma2 semaphore(%run_scoped3A : memref<!tpu.dma_semaphore, #tpu.memory_space<semaphore_mem>>) src(%dma_wait3A_17 : memref<10000xi32, #tpu.memory_space<hbm>>) dst(%arg5 : memref<10000xi32, #tpu.memory_space<vmem>>)
      tpu.yield
    }) : () -> ()
    %scan3A_9 = arith.constant 0 : i32
    %scan3A_10 = arith.constant 625 : i32
    %scan3A_11 = arith.addi %scan3A_9, %scan3A_10 : i32
    %scan3A_12 = arith.constant 1 : i32
    scf.for %scan3A_16 = %scan3A_9 to %scan3A_11 step %scan3A_12  : i32 {
      %mul3A_17 = arith.constant 1 : i32
      %mul3A_18 = arith.muli %scan3A_16, %mul3A_17 : i32
      %add3A_19 = arith.constant 0 : i32
      %add3A_20 = arith.addi %add3A_19, %mul3A_18 : i32
      %mul3A_21 = arith.constant 16 : i32
      %mul3A_22 = arith.muli %add3A_20, %mul3A_21 : i32
      %get3A = arith.index_cast %mul3A_22 : i32 to index
      %get3A_23 = tpu.vector_load %arg5[%get3A] {strides = array<i32>} : memref<10000xi32, #tpu.memory_space<vmem>>, vector<16xi32>,
      %broadcast_in_dim3A = arith.constant 1.000000e+00 : f32
      %broadcast_in_dim3A_24 = vector.broadcast %broadcast_in_dim3A : f32 to vector<16xf32>
      tpu.vector_store_idx %arg4[%get3A_23], %broadcast_in_dim3A_24 {add = true} : memref<10240xf32, #tpu.memory_space<vmem>>[vector<16xi32>], vector<16xf32>,
    }
    %scan3A_13 = arith.constant 625 : i32
    %mul3A_14 = arith.constant 10240 : i32
    %mul3A_15 = arith.muli %add3A, %mul3A_14 : i32
    "tpu.region"() ({
      %run_scoped3A = tpu.sem_alloc : memref<!tpu.dma_semaphore, #tpu.memory_space<semaphore_mem>>
      %dma_start3A = tpu.memref_slice %arg3[%mul3A_15] : memref<327680xf32, #tpu.memory_space<hbm>> -> memref<10240xf32, #tpu.memory_space<hbm>>
      %dma_start3A_16 = tpu.memref_slice %arg3[%mul3A_15] : memref<327680xf32, #tpu.memory_space<hbm>> -> memref<10240xf32, #tpu.memory_space<hbm>>
      tpu.enqueue_dma source(%arg4 : memref<10240xf32, #tpu.memory_space<vmem>>) target(%dma_start3A_16 : memref<10240xf32, #tpu.memory_space<hbm>>) target_semaphore(%run_scoped3A : memref<!tpu.dma_semaphore, #tpu.memory_space<semaphore_mem>>)
      %dma_wait3A = tpu.memref_slice %arg3[%mul3A_15] : memref<327680xf32, #tpu.memory_space<hbm>> -> memref<10240xf32, #tpu.memory_space<hbm>>
      %dma_wait3A_17 = tpu.memref_slice %arg3[%mul3A_15] : memref<327680xf32, #tpu.memory_space<hbm>> -> memref<10240xf32, #tpu.memory_space<hbm>>
      tpu.wait_dma2 semaphore(%run_scoped3A : memref<!tpu.dma_semaphore, #tpu.memory_space<semaphore_mem>>) src(%arg4 : memref<10240xf32, #tpu.memory_space<vmem>>) dst(%dma_wait3A_17 : memref<10240xf32, #tpu.memory_space<hbm>>)
      tpu.yield
    }) : () -> ()
    return
  }
}

#map = affine_map<(d0, d1) -> (0, 0)>
#map1 = affine_map<(d0, d1) -> (0, 0, 0, 0, 0)>
module attributes {stable_mosaic.version = 14 : i64} {
  func.func @_edge_scatter_body(%arg0: i32, %arg1: i32, %arg2: memref<10240x128xf32, #tpu.memory_space<hbm>>, %arg3: memref<2x32x2x50x100xi32, #tpu.memory_space<hbm>>, %arg4: memref<10240x128xf32, #tpu.memory_space<hbm>>, %arg5: memref<10240x128xf32, #tpu.memory_space<hbm>>, %arg6: memref<10240x128xf32, #tpu.memory_space<hbm>>, %arg7: memref<50x100xi32, #tpu.memory_space<vmem>>, %arg8: memref<50x100xi32, #tpu.memory_space<vmem>>, %arg9: memref<100x128xf32, #tpu.memory_space<vmem>>, %arg10: memref<100x128xf32, #tpu.memory_space<vmem>>, %arg11: memref<10240x128xf32, #tpu.memory_space<vmem_shared>>, %arg12: memref<!tpu.dma_semaphore, #tpu.memory_space<semaphore_mem>>, %arg13: memref<!tpu.dma_semaphore, #tpu.memory_space<semaphore_mem>>) attributes {dimension_semantics = [#tpu.dimension_semantics<core_parallel>, #tpu.dimension_semantics<subcore_parallel>], iteration_bounds = array<i64: 2, 16>, scalar_prefetch = 0 : i64, scratch_operands = 7 : i64, tpu.core_type = #tpu.core_type<sc_vector_subcore>, window_params = [{transform_indices = #map}, {transform_indices = #map1}, {transform_indices = #map}, {transform_indices = #map}, {transform_indices = #map}]} {
    %mul3A = arith.constant 16 : i32
    %mul3A_0 = arith.muli %arg0, %mul3A : i32
    %add3A = arith.addi %mul3A_0, %arg1 : i32
    %mul3A_1 = arith.constant 640 : i32
    %mul3A_2 = arith.muli %arg1, %mul3A_1 : i32
    %mul3A_3 = arith.constant 640 : i32
    %mul3A_4 = arith.muli %arg1, %mul3A_3 : i32
    "tpu.region"() ({
      %run_scoped3A_58 = tpu.sem_alloc : memref<!tpu.dma_semaphore, #tpu.memory_space<semaphore_mem>>
      %dma_start3A_59 = arith.constant 0 : i32
      %dma_start3A_60 = tpu.memref_slice %arg11[%mul3A_4, %dma_start3A_59] : memref<10240x128xf32, #tpu.memory_space<vmem_shared>> -> memref<640x128xf32, #tpu.memory_space<vmem_shared>>
      %dma_start3A_61 = arith.constant 0 : i32
      %dma_start3A_62 = tpu.memref_slice %arg4[%mul3A_2, %dma_start3A_61] : memref<10240x128xf32, #tpu.memory_space<hbm>> -> memref<640x128xf32, #tpu.memory_space<hbm>>
      tpu.enqueue_dma source(%dma_start3A_62 : memref<640x128xf32, #tpu.memory_space<hbm>>) target(%dma_start3A_60 : memref<640x128xf32, #tpu.memory_space<vmem_shared>>) target_semaphore(%run_scoped3A_58 : memref<!tpu.dma_semaphore, #tpu.memory_space<semaphore_mem>>)
      %dma_wait3A = arith.constant 0 : i32
      %dma_wait3A_63 = tpu.memref_slice %arg11[%mul3A_4, %dma_wait3A] : memref<10240x128xf32, #tpu.memory_space<vmem_shared>> -> memref<640x128xf32, #tpu.memory_space<vmem_shared>>
      %dma_wait3A_64 = arith.constant 0 : i32
      %dma_wait3A_65 = tpu.memref_slice %arg4[%mul3A_2, %dma_wait3A_64] : memref<10240x128xf32, #tpu.memory_space<hbm>> -> memref<640x128xf32, #tpu.memory_space<hbm>>
      tpu.wait_dma2 semaphore(%run_scoped3A_58 : memref<!tpu.dma_semaphore, #tpu.memory_space<semaphore_mem>>) src(%dma_wait3A_65 : memref<640x128xf32, #tpu.memory_space<hbm>>) dst(%dma_wait3A_63 : memref<640x128xf32, #tpu.memory_space<vmem_shared>>)
      tpu.yield
    }) : () -> ()
    %barrier3A = arith.constant 0 : index
    tpu.barrier barrier_id(%barrier3A)
    %run_scoped3A = arith.constant 0 : i32
    %run_scoped3A_5 = arith.constant 0 : i32
    "tpu.region"() ({
      %run_scoped3A_58 = tpu.sem_alloc : memref<!tpu.dma_semaphore, #tpu.memory_space<semaphore_mem>>
      %dma_start3A_59 = arith.constant 0 : i32
      %dma_start3A_60 = arith.constant 0 : i32
      %dma_start3A_61 = tpu.memref_slice %arg3[%run_scoped3A, %add3A, %run_scoped3A_5, %dma_start3A_59, %dma_start3A_60] : memref<2x32x2x50x100xi32, #tpu.memory_space<hbm>> -> memref<1x1x1x50x100xi32, #tpu.memory_space<hbm>>
      %dma_start3A_62 = tpu.memref_squeeze %dma_start3A_61 : memref<1x1x1x50x100xi32, #tpu.memory_space<hbm>> -> memref<50x100xi32, #tpu.memory_space<hbm>>
      %dma_start3A_63 = arith.constant 0 : i32
      %dma_start3A_64 = arith.constant 0 : i32
      %dma_start3A_65 = tpu.memref_slice %arg3[%run_scoped3A, %add3A, %run_scoped3A_5, %dma_start3A_63, %dma_start3A_64] : memref<2x32x2x50x100xi32, #tpu.memory_space<hbm>> -> memref<1x1x1x50x100xi32, #tpu.memory_space<hbm>>
      %dma_start3A_66 = tpu.memref_squeeze %dma_start3A_65 : memref<1x1x1x50x100xi32, #tpu.memory_space<hbm>> -> memref<50x100xi32, #tpu.memory_space<hbm>>
      tpu.enqueue_dma source(%dma_start3A_66 : memref<50x100xi32, #tpu.memory_space<hbm>>) target(%arg7 : memref<50x100xi32, #tpu.memory_space<vmem>>) target_semaphore(%run_scoped3A_58 : memref<!tpu.dma_semaphore, #tpu.memory_space<semaphore_mem>>)
      %dma_wait3A = arith.constant 0 : i32
      %dma_wait3A_67 = arith.constant 0 : i32
      %dma_wait3A_68 = tpu.memref_slice %arg3[%run_scoped3A, %add3A, %run_scoped3A_5, %dma_wait3A, %dma_wait3A_67] : memref<2x32x2x50x100xi32, #tpu.memory_space<hbm>> -> memref<1x1x1x50x100xi32, #tpu.memory_space<hbm>>
      %dma_wait3A_69 = tpu.memref_squeeze %dma_wait3A_68 : memref<1x1x1x50x100xi32, #tpu.memory_space<hbm>> -> memref<50x100xi32, #tpu.memory_space<hbm>>
      %dma_wait3A_70 = arith.constant 0 : i32
      %dma_wait3A_71 = arith.constant 0 : i32
      %dma_wait3A_72 = tpu.memref_slice %arg3[%run_scoped3A, %add3A, %run_scoped3A_5, %dma_wait3A_70, %dma_wait3A_71] : memref<2x32x2x50x100xi32, #tpu.memory_space<hbm>> -> memref<1x1x1x50x100xi32, #tpu.memory_space<hbm>>
      %dma_wait3A_73 = tpu.memref_squeeze %dma_wait3A_72 : memref<1x1x1x50x100xi32, #tpu.memory_space<hbm>> -> memref<50x100xi32, #tpu.memory_space<hbm>>
      tpu.wait_dma2 semaphore(%run_scoped3A_58 : memref<!tpu.dma_semaphore, #tpu.memory_space<semaphore_mem>>) src(%dma_wait3A_73 : memref<50x100xi32, #tpu.memory_space<hbm>>) dst(%arg7 : memref<50x100xi32, #tpu.memory_space<vmem>>)
      tpu.yield
    }) : () -> ()
    %run_scoped3A_6 = arith.constant 1 : i32
    %run_scoped3A_7 = arith.constant 0 : i32
    "tpu.region"() ({
      %run_scoped3A_58 = tpu.sem_alloc : memref<!tpu.dma_semaphore, #tpu.memory_space<semaphore_mem>>
      %dma_start3A_59 = arith.constant 0 : i32
      %dma_start3A_60 = arith.constant 0 : i32
      %dma_start3A_61 = tpu.memref_slice %arg3[%run_scoped3A_6, %add3A, %run_scoped3A_7, %dma_start3A_59, %dma_start3A_60] : memref<2x32x2x50x100xi32, #tpu.memory_space<hbm>> -> memref<1x1x1x50x100xi32, #tpu.memory_space<hbm>>
      %dma_start3A_62 = tpu.memref_squeeze %dma_start3A_61 : memref<1x1x1x50x100xi32, #tpu.memory_space<hbm>> -> memref<50x100xi32, #tpu.memory_space<hbm>>
      %dma_start3A_63 = arith.constant 0 : i32
      %dma_start3A_64 = arith.constant 0 : i32
      %dma_start3A_65 = tpu.memref_slice %arg3[%run_scoped3A_6, %add3A, %run_scoped3A_7, %dma_start3A_63, %dma_start3A_64] : memref<2x32x2x50x100xi32, #tpu.memory_space<hbm>> -> memref<1x1x1x50x100xi32, #tpu.memory_space<hbm>>
      %dma_start3A_66 = tpu.memref_squeeze %dma_start3A_65 : memref<1x1x1x50x100xi32, #tpu.memory_space<hbm>> -> memref<50x100xi32, #tpu.memory_space<hbm>>
      tpu.enqueue_dma source(%dma_start3A_66 : memref<50x100xi32, #tpu.memory_space<hbm>>) target(%arg8 : memref<50x100xi32, #tpu.memory_space<vmem>>) target_semaphore(%run_scoped3A_58 : memref<!tpu.dma_semaphore, #tpu.memory_space<semaphore_mem>>)
      %dma_wait3A = arith.constant 0 : i32
      %dma_wait3A_67 = arith.constant 0 : i32
      %dma_wait3A_68 = tpu.memref_slice %arg3[%run_scoped3A_6, %add3A, %run_scoped3A_7, %dma_wait3A, %dma_wait3A_67] : memref<2x32x2x50x100xi32, #tpu.memory_space<hbm>> -> memref<1x1x1x50x100xi32, #tpu.memory_space<hbm>>
      %dma_wait3A_69 = tpu.memref_squeeze %dma_wait3A_68 : memref<1x1x1x50x100xi32, #tpu.memory_space<hbm>> -> memref<50x100xi32, #tpu.memory_space<hbm>>
      %dma_wait3A_70 = arith.constant 0 : i32
      %dma_wait3A_71 = arith.constant 0 : i32
      %dma_wait3A_72 = tpu.memref_slice %arg3[%run_scoped3A_6, %add3A, %run_scoped3A_7, %dma_wait3A_70, %dma_wait3A_71] : memref<2x32x2x50x100xi32, #tpu.memory_space<hbm>> -> memref<1x1x1x50x100xi32, #tpu.memory_space<hbm>>
      %dma_wait3A_73 = tpu.memref_squeeze %dma_wait3A_72 : memref<1x1x1x50x100xi32, #tpu.memory_space<hbm>> -> memref<50x100xi32, #tpu.memory_space<hbm>>
      tpu.wait_dma2 semaphore(%run_scoped3A_58 : memref<!tpu.dma_semaphore, #tpu.memory_space<semaphore_mem>>) src(%dma_wait3A_73 : memref<50x100xi32, #tpu.memory_space<hbm>>) dst(%arg8 : memref<50x100xi32, #tpu.memory_space<vmem>>)
      tpu.yield
    }) : () -> ()
    %dma_start3A = arith.constant 0 : i32
    %dma_start3A_8 = arith.constant 0 : i32
    %dma_start3A_9 = tpu.memref_slice %arg7[%dma_start3A, %dma_start3A_8] : memref<50x100xi32, #tpu.memory_space<vmem>> -> memref<1x100xi32, #tpu.memory_space<vmem>>
    %dma_start3A_10 = tpu.memref_squeeze %dma_start3A_9 : memref<1x100xi32, #tpu.memory_space<vmem>> -> memref<100xi32, #tpu.memory_space<vmem>>
    %dma_start3A_11 = arith.constant 0 : i32
    %dma_start3A_12 = arith.constant 0 : i32
    %dma_start3A_13 = tpu.memref_slice %arg2[%dma_start3A_11, %dma_start3A_12] : memref<10240x128xf32, #tpu.memory_space<hbm>> -> memref<10240x128xf32, #tpu.memory_space<hbm>>
    tpu.enqueue_indirect_dma source(%dma_start3A_13 : memref<10240x128xf32, #tpu.memory_space<hbm>>) target(%arg9 : memref<100x128xf32, #tpu.memory_space<vmem>>) offsets(%dma_start3A_10 : memref<100xi32, #tpu.memory_space<vmem>>) semaphore(%arg12 : memref<!tpu.dma_semaphore, #tpu.memory_space<semaphore_mem>>)
    %dma_start3A_14 = arith.constant 1 : i32
    %dma_start3A_15 = arith.constant 0 : i32
    %dma_start3A_16 = tpu.memref_slice %arg7[%dma_start3A_14, %dma_start3A_15] : memref<50x100xi32, #tpu.memory_space<vmem>> -> memref<1x100xi32, #tpu.memory_space<vmem>>
    %dma_start3A_17 = tpu.memref_squeeze %dma_start3A_16 : memref<1x100xi32, #tpu.memory_space<vmem>> -> memref<100xi32, #tpu.memory_space<vmem>>
    %dma_start3A_18 = arith.constant 0 : i32
    %dma_start3A_19 = arith.constant 0 : i32
    %dma_start3A_20 = tpu.memref_slice %arg2[%dma_start3A_18, %dma_start3A_19] : memref<10240x128xf32, #tpu.memory_space<hbm>> -> memref<10240x128xf32, #tpu.memory_space<hbm>>
    tpu.enqueue_indirect_dma source(%dma_start3A_20 : memref<10240x128xf32, #tpu.memory_space<hbm>>) target(%arg10 : memref<100x128xf32, #tpu.memory_space<vmem>>) offsets(%dma_start3A_17 : memref<100xi32, #tpu.memory_space<vmem>>) semaphore(%arg13 : memref<!tpu.dma_semaphore, #tpu.memory_space<semaphore_mem>>)
    %scan3A = arith.constant 0 : i32
    %scan3A_21 = arith.constant 25 : i32
    %scan3A_22 = arith.addi %scan3A, %scan3A_21 : i32
    %scan3A_23 = arith.constant 1 : i32
    scf.for %scan3A_58 = %scan3A to %scan3A_22 step %scan3A_23  : i32 {
      %mul3A_59 = arith.constant 1 : i32
      %mul3A_60 = arith.muli %scan3A_58, %mul3A_59 : i32
      %add3A_61 = arith.constant 0 : i32
      %add3A_62 = arith.addi %add3A_61, %mul3A_60 : i32
      %mul3A_63 = arith.constant 2 : i32
      %mul3A_64 = arith.muli %add3A_62, %mul3A_63 : i32
      %add3A_65 = arith.constant 0 : i32
      %add3A_66 = arith.addi %mul3A_64, %add3A_65 : i32
      %dma_wait3A = arith.constant 0 : i32
      %dma_wait3A_67 = tpu.memref_slice %arg7[%add3A_66, %dma_wait3A] : memref<50x100xi32, #tpu.memory_space<vmem>> -> memref<1x100xi32, #tpu.memory_space<vmem>>
      %dma_wait3A_68 = tpu.memref_squeeze %dma_wait3A_67 : memref<1x100xi32, #tpu.memory_space<vmem>> -> memref<100xi32, #tpu.memory_space<vmem>>
      %dma_wait3A_69 = arith.constant 0 : i32
      %dma_wait3A_70 = arith.constant 0 : i32
      %dma_wait3A_71 = tpu.memref_slice %arg2[%dma_wait3A_69, %dma_wait3A_70] : memref<10240x128xf32, #tpu.memory_space<hbm>> -> memref<10240x128xf32, #tpu.memory_space<hbm>>
      tpu.wait_indirect_dma semaphore(%arg12 : memref<!tpu.dma_semaphore, #tpu.memory_space<semaphore_mem>>) src(%dma_wait3A_71 : memref<10240x128xf32, #tpu.memory_space<hbm>>) dst(%arg9 : memref<100x128xf32, #tpu.memory_space<vmem>>)
      "tpu.region"() ({
        %run_scoped3A_91 = tpu.sem_alloc : memref<!tpu.dma_semaphore, #tpu.memory_space<semaphore_mem>>
        %dma_start3A_92 = arith.constant 0 : i32
        %dma_start3A_93 = tpu.memref_slice %arg8[%add3A_66, %dma_start3A_92] : memref<50x100xi32, #tpu.memory_space<vmem>> -> memref<1x100xi32, #tpu.memory_space<vmem>>
        %dma_start3A_94 = tpu.memref_squeeze %dma_start3A_93 : memref<1x100xi32, #tpu.memory_space<vmem>> -> memref<100xi32, #tpu.memory_space<vmem>>
        %dma_start3A_95 = arith.constant 0 : i32
        %dma_start3A_96 = arith.constant 0 : i32
        %dma_start3A_97 = tpu.memref_slice %arg11[%dma_start3A_95, %dma_start3A_96] : memref<10240x128xf32, #tpu.memory_space<vmem_shared>> -> memref<10240x128xf32, #tpu.memory_space<vmem_shared>>
        tpu.enqueue_indirect_dma source(%arg9 : memref<100x128xf32, #tpu.memory_space<vmem>>) target(%dma_start3A_97 : memref<10240x128xf32, #tpu.memory_space<vmem_shared>>) offsets(%dma_start3A_94 : memref<100xi32, #tpu.memory_space<vmem>>) semaphore(%run_scoped3A_91 : memref<!tpu.dma_semaphore, #tpu.memory_space<semaphore_mem>>) {add = true}
        %dma_wait3A_98 = arith.constant 0 : i32
        %dma_wait3A_99 = tpu.memref_slice %arg8[%add3A_66, %dma_wait3A_98] : memref<50x100xi32, #tpu.memory_space<vmem>> -> memref<1x100xi32, #tpu.memory_space<vmem>>
        %dma_wait3A_100 = tpu.memref_squeeze %dma_wait3A_99 : memref<1x100xi32, #tpu.memory_space<vmem>> -> memref<100xi32, #tpu.memory_space<vmem>>
        %dma_wait3A_101 = arith.constant 0 : i32
        %dma_wait3A_102 = arith.constant 0 : i32
        %dma_wait3A_103 = tpu.memref_slice %arg11[%dma_wait3A_101, %dma_wait3A_102] : memref<10240x128xf32, #tpu.memory_space<vmem_shared>> -> memref<10240x128xf32, #tpu.memory_space<vmem_shared>>
        tpu.wait_indirect_dma semaphore(%run_scoped3A_91 : memref<!tpu.dma_semaphore, #tpu.memory_space<semaphore_mem>>) src(%arg9 : memref<100x128xf32, #tpu.memory_space<vmem>>) dst(%dma_wait3A_103 : memref<10240x128xf32, #tpu.memory_space<vmem_shared>>)
        tpu.yield
      }) : () -> ()
      %lt3A = arith.constant 24 : i32
      %lt3A_72 = arith.cmpi slt, %add3A_62, %lt3A : i32
      %convert_element_type3A_73 = arith.extui %lt3A_72 : i1 to i32
      %cond3A_74 = arith.constant 0 : i32
      %cond3A_75 = arith.cmpi ne, %convert_element_type3A_73, %cond3A_74 : i32
      scf.if %cond3A_75 {
        %add3A_91 = arith.constant 2 : i32
        %add3A_92 = arith.addi %add3A_66, %add3A_91 : i32
        %dma_start3A_93 = arith.constant 0 : i32
        %dma_start3A_94 = tpu.memref_slice %arg7[%add3A_92, %dma_start3A_93] : memref<50x100xi32, #tpu.memory_space<vmem>> -> memref<1x100xi32, #tpu.memory_space<vmem>>
        %dma_start3A_95 = tpu.memref_squeeze %dma_start3A_94 : memref<1x100xi32, #tpu.memory_space<vmem>> -> memref<100xi32, #tpu.memory_space<vmem>>
        %dma_start3A_96 = arith.constant 0 : i32
        %dma_start3A_97 = arith.constant 0 : i32
        %dma_start3A_98 = tpu.memref_slice %arg2[%dma_start3A_96, %dma_start3A_97] : memref<10240x128xf32, #tpu.memory_space<hbm>> -> memref<10240x128xf32, #tpu.memory_space<hbm>>
        tpu.enqueue_indirect_dma source(%dma_start3A_98 : memref<10240x128xf32, #tpu.memory_space<hbm>>) target(%arg9 : memref<100x128xf32, #tpu.memory_space<vmem>>) offsets(%dma_start3A_95 : memref<100xi32, #tpu.memory_space<vmem>>) semaphore(%arg12 : memref<!tpu.dma_semaphore, #tpu.memory_space<semaphore_mem>>)
      } else {
      }
      %mul3A_76 = arith.constant 2 : i32
      %mul3A_77 = arith.muli %add3A_62, %mul3A_76 : i32
      %add3A_78 = arith.constant 1 : i32
      %add3A_79 = arith.addi %mul3A_77, %add3A_78 : i32
      %dma_wait3A_80 = arith.constant 0 : i32
      %dma_wait3A_81 = tpu.memref_slice %arg7[%add3A_79, %dma_wait3A_80] : memref<50x100xi32, #tpu.memory_space<vmem>> -> memref<1x100xi32, #tpu.memory_space<vmem>>
      %dma_wait3A_82 = tpu.memref_squeeze %dma_wait3A_81 : memref<1x100xi32, #tpu.memory_space<vmem>> -> memref<100xi32, #tpu.memory_space<vmem>>
      %dma_wait3A_83 = arith.constant 0 : i32
      %dma_wait3A_84 = arith.constant 0 : i32
      %dma_wait3A_85 = tpu.memref_slice %arg2[%dma_wait3A_83, %dma_wait3A_84] : memref<10240x128xf32, #tpu.memory_space<hbm>> -> memref<10240x128xf32, #tpu.memory_space<hbm>>
      tpu.wait_indirect_dma semaphore(%arg13 : memref<!tpu.dma_semaphore, #tpu.memory_space<semaphore_mem>>) src(%dma_wait3A_85 : memref<10240x128xf32, #tpu.memory_space<hbm>>) dst(%arg10 : memref<100x128xf32, #tpu.memory_space<vmem>>)
      "tpu.region"() ({
        %run_scoped3A_91 = tpu.sem_alloc : memref<!tpu.dma_semaphore, #tpu.memory_space<semaphore_mem>>
        %dma_start3A_92 = arith.constant 0 : i32
        %dma_start3A_93 = tpu.memref_slice %arg8[%add3A_79, %dma_start3A_92] : memref<50x100xi32, #tpu.memory_space<vmem>> -> memref<1x100xi32, #tpu.memory_space<vmem>>
        %dma_start3A_94 = tpu.memref_squeeze %dma_start3A_93 : memref<1x100xi32, #tpu.memory_space<vmem>> -> memref<100xi32, #tpu.memory_space<vmem>>
        %dma_start3A_95 = arith.constant 0 : i32
        %dma_start3A_96 = arith.constant 0 : i32
        %dma_start3A_97 = tpu.memref_slice %arg11[%dma_start3A_95, %dma_start3A_96] : memref<10240x128xf32, #tpu.memory_space<vmem_shared>> -> memref<10240x128xf32, #tpu.memory_space<vmem_shared>>
        tpu.enqueue_indirect_dma source(%arg10 : memref<100x128xf32, #tpu.memory_space<vmem>>) target(%dma_start3A_97 : memref<10240x128xf32, #tpu.memory_space<vmem_shared>>) offsets(%dma_start3A_94 : memref<100xi32, #tpu.memory_space<vmem>>) semaphore(%run_scoped3A_91 : memref<!tpu.dma_semaphore, #tpu.memory_space<semaphore_mem>>) {add = true}
        %dma_wait3A_98 = arith.constant 0 : i32
        %dma_wait3A_99 = tpu.memref_slice %arg8[%add3A_79, %dma_wait3A_98] : memref<50x100xi32, #tpu.memory_space<vmem>> -> memref<1x100xi32, #tpu.memory_space<vmem>>
        %dma_wait3A_100 = tpu.memref_squeeze %dma_wait3A_99 : memref<1x100xi32, #tpu.memory_space<vmem>> -> memref<100xi32, #tpu.memory_space<vmem>>
        %dma_wait3A_101 = arith.constant 0 : i32
        %dma_wait3A_102 = arith.constant 0 : i32
        %dma_wait3A_103 = tpu.memref_slice %arg11[%dma_wait3A_101, %dma_wait3A_102] : memref<10240x128xf32, #tpu.memory_space<vmem_shared>> -> memref<10240x128xf32, #tpu.memory_space<vmem_shared>>
        tpu.wait_indirect_dma semaphore(%run_scoped3A_91 : memref<!tpu.dma_semaphore, #tpu.memory_space<semaphore_mem>>) src(%arg10 : memref<100x128xf32, #tpu.memory_space<vmem>>) dst(%dma_wait3A_103 : memref<10240x128xf32, #tpu.memory_space<vmem_shared>>)
        tpu.yield
      }) : () -> ()
      %lt3A_86 = arith.constant 24 : i32
      %lt3A_87 = arith.cmpi slt, %add3A_62, %lt3A_86 : i32
      %convert_element_type3A_88 = arith.extui %lt3A_87 : i1 to i32
      %cond3A_89 = arith.constant 0 : i32
      %cond3A_90 = arith.cmpi ne, %convert_element_type3A_88, %cond3A_89 : i32
      scf.if %cond3A_90 {
        %add3A_91 = arith.constant 2 : i32
        %add3A_92 = arith.addi %add3A_79, %add3A_91 : i32
        %dma_start3A_93 = arith.constant 0 : i32
        %dma_start3A_94 = tpu.memref_slice %arg7[%add3A_92, %dma_start3A_93] : memref<50x100xi32, #tpu.memory_space<vmem>> -> memref<1x100xi32, #tpu.memory_space<vmem>>
        %dma_start3A_95 = tpu.memref_squeeze %dma_start3A_94 : memref<1x100xi32, #tpu.memory_space<vmem>> -> memref<100xi32, #tpu.memory_space<vmem>>
        %dma_start3A_96 = arith.constant 0 : i32
        %dma_start3A_97 = arith.constant 0 : i32
        %dma_start3A_98 = tpu.memref_slice %arg2[%dma_start3A_96, %dma_start3A_97] : memref<10240x128xf32, #tpu.memory_space<hbm>> -> memref<10240x128xf32, #tpu.memory_space<hbm>>
        tpu.enqueue_indirect_dma source(%dma_start3A_98 : memref<10240x128xf32, #tpu.memory_space<hbm>>) target(%arg10 : memref<100x128xf32, #tpu.memory_space<vmem>>) offsets(%dma_start3A_95 : memref<100xi32, #tpu.memory_space<vmem>>) semaphore(%arg13 : memref<!tpu.dma_semaphore, #tpu.memory_space<semaphore_mem>>)
      } else {
      }
    }
    %scan3A_24 = arith.constant 25 : i32
    %run_scoped3A_25 = arith.constant 0 : i32
    %run_scoped3A_26 = arith.constant 1 : i32
    "tpu.region"() ({
      %run_scoped3A_58 = tpu.sem_alloc : memref<!tpu.dma_semaphore, #tpu.memory_space<semaphore_mem>>
      %dma_start3A_59 = arith.constant 0 : i32
      %dma_start3A_60 = arith.constant 0 : i32
      %dma_start3A_61 = tpu.memref_slice %arg3[%run_scoped3A_25, %add3A, %run_scoped3A_26, %dma_start3A_59, %dma_start3A_60] : memref<2x32x2x50x100xi32, #tpu.memory_space<hbm>> -> memref<1x1x1x50x100xi32, #tpu.memory_space<hbm>>
      %dma_start3A_62 = tpu.memref_squeeze %dma_start3A_61 : memref<1x1x1x50x100xi32, #tpu.memory_space<hbm>> -> memref<50x100xi32, #tpu.memory_space<hbm>>
      %dma_start3A_63 = arith.constant 0 : i32
      %dma_start3A_64 = arith.constant 0 : i32
      %dma_start3A_65 = tpu.memref_slice %arg3[%run_scoped3A_25, %add3A, %run_scoped3A_26, %dma_start3A_63, %dma_start3A_64] : memref<2x32x2x50x100xi32, #tpu.memory_space<hbm>> -> memref<1x1x1x50x100xi32, #tpu.memory_space<hbm>>
      %dma_start3A_66 = tpu.memref_squeeze %dma_start3A_65 : memref<1x1x1x50x100xi32, #tpu.memory_space<hbm>> -> memref<50x100xi32, #tpu.memory_space<hbm>>
      tpu.enqueue_dma source(%dma_start3A_66 : memref<50x100xi32, #tpu.memory_space<hbm>>) target(%arg7 : memref<50x100xi32, #tpu.memory_space<vmem>>) target_semaphore(%run_scoped3A_58 : memref<!tpu.dma_semaphore, #tpu.memory_space<semaphore_mem>>)
      %dma_wait3A = arith.constant 0 : i32
      %dma_wait3A_67 = arith.constant 0 : i32
      %dma_wait3A_68 = tpu.memref_slice %arg3[%run_scoped3A_25, %add3A, %run_scoped3A_26, %dma_wait3A, %dma_wait3A_67] : memref<2x32x2x50x100xi32, #tpu.memory_space<hbm>> -> memref<1x1x1x50x100xi32, #tpu.memory_space<hbm>>
      %dma_wait3A_69 = tpu.memref_squeeze %dma_wait3A_68 : memref<1x1x1x50x100xi32, #tpu.memory_space<hbm>> -> memref<50x100xi32, #tpu.memory_space<hbm>>
      %dma_wait3A_70 = arith.constant 0 : i32
      %dma_wait3A_71 = arith.constant 0 : i32
      %dma_wait3A_72 = tpu.memref_slice %arg3[%run_scoped3A_25, %add3A, %run_scoped3A_26, %dma_wait3A_70, %dma_wait3A_71] : memref<2x32x2x50x100xi32, #tpu.memory_space<hbm>> -> memref<1x1x1x50x100xi32, #tpu.memory_space<hbm>>
      %dma_wait3A_73 = tpu.memref_squeeze %dma_wait3A_72 : memref<1x1x1x50x100xi32, #tpu.memory_space<hbm>> -> memref<50x100xi32, #tpu.memory_space<hbm>>
      tpu.wait_dma2 semaphore(%run_scoped3A_58 : memref<!tpu.dma_semaphore, #tpu.memory_space<semaphore_mem>>) src(%dma_wait3A_73 : memref<50x100xi32, #tpu.memory_space<hbm>>) dst(%arg7 : memref<50x100xi32, #tpu.memory_space<vmem>>)
      tpu.yield
    }) : () -> ()
    %run_scoped3A_27 = arith.constant 1 : i32
    %run_scoped3A_28 = arith.constant 1 : i32
    "tpu.region"() ({
      %run_scoped3A_58 = tpu.sem_alloc : memref<!tpu.dma_semaphore, #tpu.memory_space<semaphore_mem>>
      %dma_start3A_59 = arith.constant 0 : i32
      %dma_start3A_60 = arith.constant 0 : i32
      %dma_start3A_61 = tpu.memref_slice %arg3[%run_scoped3A_27, %add3A, %run_scoped3A_28, %dma_start3A_59, %dma_start3A_60] : memref<2x32x2x50x100xi32, #tpu.memory_space<hbm>> -> memref<1x1x1x50x100xi32, #tpu.memory_space<hbm>>
      %dma_start3A_62 = tpu.memref_squeeze %dma_start3A_61 : memref<1x1x1x50x100xi32, #tpu.memory_space<hbm>> -> memref<50x100xi32, #tpu.memory_space<hbm>>
      %dma_start3A_63 = arith.constant 0 : i32
      %dma_start3A_64 = arith.constant 0 : i32
      %dma_start3A_65 = tpu.memref_slice %arg3[%run_scoped3A_27, %add3A, %run_scoped3A_28, %dma_start3A_63, %dma_start3A_64] : memref<2x32x2x50x100xi32, #tpu.memory_space<hbm>> -> memref<1x1x1x50x100xi32, #tpu.memory_space<hbm>>
      %dma_start3A_66 = tpu.memref_squeeze %dma_start3A_65 : memref<1x1x1x50x100xi32, #tpu.memory_space<hbm>> -> memref<50x100xi32, #tpu.memory_space<hbm>>
      tpu.enqueue_dma source(%dma_start3A_66 : memref<50x100xi32, #tpu.memory_space<hbm>>) target(%arg8 : memref<50x100xi32, #tpu.memory_space<vmem>>) target_semaphore(%run_scoped3A_58 : memref<!tpu.dma_semaphore, #tpu.memory_space<semaphore_mem>>)
      %dma_wait3A = arith.constant 0 : i32
      %dma_wait3A_67 = arith.constant 0 : i32
      %dma_wait3A_68 = tpu.memref_slice %arg3[%run_scoped3A_27, %add3A, %run_scoped3A_28, %dma_wait3A, %dma_wait3A_67] : memref<2x32x2x50x100xi32, #tpu.memory_space<hbm>> -> memref<1x1x1x50x100xi32, #tpu.memory_space<hbm>>
      %dma_wait3A_69 = tpu.memref_squeeze %dma_wait3A_68 : memref<1x1x1x50x100xi32, #tpu.memory_space<hbm>> -> memref<50x100xi32, #tpu.memory_space<hbm>>
      %dma_wait3A_70 = arith.constant 0 : i32
      %dma_wait3A_71 = arith.constant 0 : i32
      %dma_wait3A_72 = tpu.memref_slice %arg3[%run_scoped3A_27, %add3A, %run_scoped3A_28, %dma_wait3A_70, %dma_wait3A_71] : memref<2x32x2x50x100xi32, #tpu.memory_space<hbm>> -> memref<1x1x1x50x100xi32, #tpu.memory_space<hbm>>
      %dma_wait3A_73 = tpu.memref_squeeze %dma_wait3A_72 : memref<1x1x1x50x100xi32, #tpu.memory_space<hbm>> -> memref<50x100xi32, #tpu.memory_space<hbm>>
      tpu.wait_dma2 semaphore(%run_scoped3A_58 : memref<!tpu.dma_semaphore, #tpu.memory_space<semaphore_mem>>) src(%dma_wait3A_73 : memref<50x100xi32, #tpu.memory_space<hbm>>) dst(%arg8 : memref<50x100xi32, #tpu.memory_space<vmem>>)
      tpu.yield
    }) : () -> ()
    %dma_start3A_29 = arith.constant 0 : i32
    %dma_start3A_30 = arith.constant 0 : i32
    %dma_start3A_31 = tpu.memref_slice %arg7[%dma_start3A_29, %dma_start3A_30] : memref<50x100xi32, #tpu.memory_space<vmem>> -> memref<1x100xi32, #tpu.memory_space<vmem>>
    %dma_start3A_32 = tpu.memref_squeeze %dma_start3A_31 : memref<1x100xi32, #tpu.memory_space<vmem>> -> memref<100xi32, #tpu.memory_space<vmem>>
    %dma_start3A_33 = arith.constant 0 : i32
    %dma_start3A_34 = arith.constant 0 : i32
    %dma_start3A_35 = tpu.memref_slice %arg2[%dma_start3A_33, %dma_start3A_34] : memref<10240x128xf32, #tpu.memory_space<hbm>> -> memref<10240x128xf32, #tpu.memory_space<hbm>>
    tpu.enqueue_indirect_dma source(%dma_start3A_35 : memref<10240x128xf32, #tpu.memory_space<hbm>>) target(%arg9 : memref<100x128xf32, #tpu.memory_space<vmem>>) offsets(%dma_start3A_32 : memref<100xi32, #tpu.memory_space<vmem>>) semaphore(%arg12 : memref<!tpu.dma_semaphore, #tpu.memory_space<semaphore_mem>>)
    %dma_start3A_36 = arith.constant 1 : i32
    %dma_start3A_37 = arith.constant 0 : i32
    %dma_start3A_38 = tpu.memref_slice %arg7[%dma_start3A_36, %dma_start3A_37] : memref<50x100xi32, #tpu.memory_space<vmem>> -> memref<1x100xi32, #tpu.memory_space<vmem>>
    %dma_start3A_39 = tpu.memref_squeeze %dma_start3A_38 : memref<1x100xi32, #tpu.memory_space<vmem>> -> memref<100xi32, #tpu.memory_space<vmem>>
    %dma_start3A_40 = arith.constant 0 : i32
    %dma_start3A_41 = arith.constant 0 : i32
    %dma_start3A_42 = tpu.memref_slice %arg2[%dma_start3A_40, %dma_start3A_41] : memref<10240x128xf32, #tpu.memory_space<hbm>> -> memref<10240x128xf32, #tpu.memory_space<hbm>>
    tpu.enqueue_indirect_dma source(%dma_start3A_42 : memref<10240x128xf32, #tpu.memory_space<hbm>>) target(%arg10 : memref<100x128xf32, #tpu.memory_space<vmem>>) offsets(%dma_start3A_39 : memref<100xi32, #tpu.memory_space<vmem>>) semaphore(%arg13 : memref<!tpu.dma_semaphore, #tpu.memory_space<semaphore_mem>>)
    %scan3A_43 = arith.constant 0 : i32
    %scan3A_44 = arith.constant 25 : i32
    %scan3A_45 = arith.addi %scan3A_43, %scan3A_44 : i32
    %scan3A_46 = arith.constant 1 : i32
    scf.for %scan3A_58 = %scan3A_43 to %scan3A_45 step %scan3A_46  : i32 {
      %mul3A_59 = arith.constant 1 : i32
      %mul3A_60 = arith.muli %scan3A_58, %mul3A_59 : i32
      %add3A_61 = arith.constant 0 : i32
      %add3A_62 = arith.addi %add3A_61, %mul3A_60 : i32
      %mul3A_63 = arith.constant 2 : i32
      %mul3A_64 = arith.muli %add3A_62, %mul3A_63 : i32
      %add3A_65 = arith.constant 0 : i32
      %add3A_66 = arith.addi %mul3A_64, %add3A_65 : i32
      %dma_wait3A = arith.constant 0 : i32
      %dma_wait3A_67 = tpu.memref_slice %arg7[%add3A_66, %dma_wait3A] : memref<50x100xi32, #tpu.memory_space<vmem>> -> memref<1x100xi32, #tpu.memory_space<vmem>>
      %dma_wait3A_68 = tpu.memref_squeeze %dma_wait3A_67 : memref<1x100xi32, #tpu.memory_space<vmem>> -> memref<100xi32, #tpu.memory_space<vmem>>
      %dma_wait3A_69 = arith.constant 0 : i32
      %dma_wait3A_70 = arith.constant 0 : i32
      %dma_wait3A_71 = tpu.memref_slice %arg2[%dma_wait3A_69, %dma_wait3A_70] : memref<10240x128xf32, #tpu.memory_space<hbm>> -> memref<10240x128xf32, #tpu.memory_space<hbm>>
      tpu.wait_indirect_dma semaphore(%arg12 : memref<!tpu.dma_semaphore, #tpu.memory_space<semaphore_mem>>) src(%dma_wait3A_71 : memref<10240x128xf32, #tpu.memory_space<hbm>>) dst(%arg9 : memref<100x128xf32, #tpu.memory_space<vmem>>)
      "tpu.region"() ({
        %run_scoped3A_91 = tpu.sem_alloc : memref<!tpu.dma_semaphore, #tpu.memory_space<semaphore_mem>>
        %dma_start3A_92 = arith.constant 0 : i32
        %dma_start3A_93 = tpu.memref_slice %arg8[%add3A_66, %dma_start3A_92] : memref<50x100xi32, #tpu.memory_space<vmem>> -> memref<1x100xi32, #tpu.memory_space<vmem>>
        %dma_start3A_94 = tpu.memref_squeeze %dma_start3A_93 : memref<1x100xi32, #tpu.memory_space<vmem>> -> memref<100xi32, #tpu.memory_space<vmem>>
        %dma_start3A_95 = arith.constant 0 : i32
        %dma_start3A_96 = arith.constant 0 : i32
        %dma_start3A_97 = tpu.memref_slice %arg11[%dma_start3A_95, %dma_start3A_96] : memref<10240x128xf32, #tpu.memory_space<vmem_shared>> -> memref<10240x128xf32, #tpu.memory_space<vmem_shared>>
        tpu.enqueue_indirect_dma source(%arg9 : memref<100x128xf32, #tpu.memory_space<vmem>>) target(%dma_start3A_97 : memref<10240x128xf32, #tpu.memory_space<vmem_shared>>) offsets(%dma_start3A_94 : memref<100xi32, #tpu.memory_space<vmem>>) semaphore(%run_scoped3A_91 : memref<!tpu.dma_semaphore, #tpu.memory_space<semaphore_mem>>) {add = true}
        %dma_wait3A_98 = arith.constant 0 : i32
        %dma_wait3A_99 = tpu.memref_slice %arg8[%add3A_66, %dma_wait3A_98] : memref<50x100xi32, #tpu.memory_space<vmem>> -> memref<1x100xi32, #tpu.memory_space<vmem>>
        %dma_wait3A_100 = tpu.memref_squeeze %dma_wait3A_99 : memref<1x100xi32, #tpu.memory_space<vmem>> -> memref<100xi32, #tpu.memory_space<vmem>>
        %dma_wait3A_101 = arith.constant 0 : i32
        %dma_wait3A_102 = arith.constant 0 : i32
        %dma_wait3A_103 = tpu.memref_slice %arg11[%dma_wait3A_101, %dma_wait3A_102] : memref<10240x128xf32, #tpu.memory_space<vmem_shared>> -> memref<10240x128xf32, #tpu.memory_space<vmem_shared>>
        tpu.wait_indirect_dma semaphore(%run_scoped3A_91 : memref<!tpu.dma_semaphore, #tpu.memory_space<semaphore_mem>>) src(%arg9 : memref<100x128xf32, #tpu.memory_space<vmem>>) dst(%dma_wait3A_103 : memref<10240x128xf32, #tpu.memory_space<vmem_shared>>)
        tpu.yield
      }) : () -> ()
      %lt3A = arith.constant 24 : i32
      %lt3A_72 = arith.cmpi slt, %add3A_62, %lt3A : i32
      %convert_element_type3A_73 = arith.extui %lt3A_72 : i1 to i32
      %cond3A_74 = arith.constant 0 : i32
      %cond3A_75 = arith.cmpi ne, %convert_element_type3A_73, %cond3A_74 : i32
      scf.if %cond3A_75 {
        %add3A_91 = arith.constant 2 : i32
        %add3A_92 = arith.addi %add3A_66, %add3A_91 : i32
        %dma_start3A_93 = arith.constant 0 : i32
        %dma_start3A_94 = tpu.memref_slice %arg7[%add3A_92, %dma_start3A_93] : memref<50x100xi32, #tpu.memory_space<vmem>> -> memref<1x100xi32, #tpu.memory_space<vmem>>
        %dma_start3A_95 = tpu.memref_squeeze %dma_start3A_94 : memref<1x100xi32, #tpu.memory_space<vmem>> -> memref<100xi32, #tpu.memory_space<vmem>>
        %dma_start3A_96 = arith.constant 0 : i32
        %dma_start3A_97 = arith.constant 0 : i32
        %dma_start3A_98 = tpu.memref_slice %arg2[%dma_start3A_96, %dma_start3A_97] : memref<10240x128xf32, #tpu.memory_space<hbm>> -> memref<10240x128xf32, #tpu.memory_space<hbm>>
        tpu.enqueue_indirect_dma source(%dma_start3A_98 : memref<10240x128xf32, #tpu.memory_space<hbm>>) target(%arg9 : memref<100x128xf32, #tpu.memory_space<vmem>>) offsets(%dma_start3A_95 : memref<100xi32, #tpu.memory_space<vmem>>) semaphore(%arg12 : memref<!tpu.dma_semaphore, #tpu.memory_space<semaphore_mem>>)
      } else {
      }
      %mul3A_76 = arith.constant 2 : i32
      %mul3A_77 = arith.muli %add3A_62, %mul3A_76 : i32
      %add3A_78 = arith.constant 1 : i32
      %add3A_79 = arith.addi %mul3A_77, %add3A_78 : i32
      %dma_wait3A_80 = arith.constant 0 : i32
      %dma_wait3A_81 = tpu.memref_slice %arg7[%add3A_79, %dma_wait3A_80] : memref<50x100xi32, #tpu.memory_space<vmem>> -> memref<1x100xi32, #tpu.memory_space<vmem>>
      %dma_wait3A_82 = tpu.memref_squeeze %dma_wait3A_81 : memref<1x100xi32, #tpu.memory_space<vmem>> -> memref<100xi32, #tpu.memory_space<vmem>>
      %dma_wait3A_83 = arith.constant 0 : i32
      %dma_wait3A_84 = arith.constant 0 : i32
      %dma_wait3A_85 = tpu.memref_slice %arg2[%dma_wait3A_83, %dma_wait3A_84] : memref<10240x128xf32, #tpu.memory_space<hbm>> -> memref<10240x128xf32, #tpu.memory_space<hbm>>
      tpu.wait_indirect_dma semaphore(%arg13 : memref<!tpu.dma_semaphore, #tpu.memory_space<semaphore_mem>>) src(%dma_wait3A_85 : memref<10240x128xf32, #tpu.memory_space<hbm>>) dst(%arg10 : memref<100x128xf32, #tpu.memory_space<vmem>>)
      "tpu.region"() ({
        %run_scoped3A_91 = tpu.sem_alloc : memref<!tpu.dma_semaphore, #tpu.memory_space<semaphore_mem>>
        %dma_start3A_92 = arith.constant 0 : i32
        %dma_start3A_93 = tpu.memref_slice %arg8[%add3A_79, %dma_start3A_92] : memref<50x100xi32, #tpu.memory_space<vmem>> -> memref<1x100xi32, #tpu.memory_space<vmem>>
        %dma_start3A_94 = tpu.memref_squeeze %dma_start3A_93 : memref<1x100xi32, #tpu.memory_space<vmem>> -> memref<100xi32, #tpu.memory_space<vmem>>
        %dma_start3A_95 = arith.constant 0 : i32
        %dma_start3A_96 = arith.constant 0 : i32
        %dma_start3A_97 = tpu.memref_slice %arg11[%dma_start3A_95, %dma_start3A_96] : memref<10240x128xf32, #tpu.memory_space<vmem_shared>> -> memref<10240x128xf32, #tpu.memory_space<vmem_shared>>
        tpu.enqueue_indirect_dma source(%arg10 : memref<100x128xf32, #tpu.memory_space<vmem>>) target(%dma_start3A_97 : memref<10240x128xf32, #tpu.memory_space<vmem_shared>>) offsets(%dma_start3A_94 : memref<100xi32, #tpu.memory_space<vmem>>) semaphore(%run_scoped3A_91 : memref<!tpu.dma_semaphore, #tpu.memory_space<semaphore_mem>>) {add = true}
        %dma_wait3A_98 = arith.constant 0 : i32
        %dma_wait3A_99 = tpu.memref_slice %arg8[%add3A_79, %dma_wait3A_98] : memref<50x100xi32, #tpu.memory_space<vmem>> -> memref<1x100xi32, #tpu.memory_space<vmem>>
        %dma_wait3A_100 = tpu.memref_squeeze %dma_wait3A_99 : memref<1x100xi32, #tpu.memory_space<vmem>> -> memref<100xi32, #tpu.memory_space<vmem>>
        %dma_wait3A_101 = arith.constant 0 : i32
        %dma_wait3A_102 = arith.constant 0 : i32
        %dma_wait3A_103 = tpu.memref_slice %arg11[%dma_wait3A_101, %dma_wait3A_102] : memref<10240x128xf32, #tpu.memory_space<vmem_shared>> -> memref<10240x128xf32, #tpu.memory_space<vmem_shared>>
        tpu.wait_indirect_dma semaphore(%run_scoped3A_91 : memref<!tpu.dma_semaphore, #tpu.memory_space<semaphore_mem>>) src(%arg10 : memref<100x128xf32, #tpu.memory_space<vmem>>) dst(%dma_wait3A_103 : memref<10240x128xf32, #tpu.memory_space<vmem_shared>>)
        tpu.yield
      }) : () -> ()
      %lt3A_86 = arith.constant 24 : i32
      %lt3A_87 = arith.cmpi slt, %add3A_62, %lt3A_86 : i32
      %convert_element_type3A_88 = arith.extui %lt3A_87 : i1 to i32
      %cond3A_89 = arith.constant 0 : i32
      %cond3A_90 = arith.cmpi ne, %convert_element_type3A_88, %cond3A_89 : i32
      scf.if %cond3A_90 {
        %add3A_91 = arith.constant 2 : i32
        %add3A_92 = arith.addi %add3A_79, %add3A_91 : i32
        %dma_start3A_93 = arith.constant 0 : i32
        %dma_start3A_94 = tpu.memref_slice %arg7[%add3A_92, %dma_start3A_93] : memref<50x100xi32, #tpu.memory_space<vmem>> -> memref<1x100xi32, #tpu.memory_space<vmem>>
        %dma_start3A_95 = tpu.memref_squeeze %dma_start3A_94 : memref<1x100xi32, #tpu.memory_space<vmem>> -> memref<100xi32, #tpu.memory_space<vmem>>
        %dma_start3A_96 = arith.constant 0 : i32
        %dma_start3A_97 = arith.constant 0 : i32
        %dma_start3A_98 = tpu.memref_slice %arg2[%dma_start3A_96, %dma_start3A_97] : memref<10240x128xf32, #tpu.memory_space<hbm>> -> memref<10240x128xf32, #tpu.memory_space<hbm>>
        tpu.enqueue_indirect_dma source(%dma_start3A_98 : memref<10240x128xf32, #tpu.memory_space<hbm>>) target(%arg10 : memref<100x128xf32, #tpu.memory_space<vmem>>) offsets(%dma_start3A_95 : memref<100xi32, #tpu.memory_space<vmem>>) semaphore(%arg13 : memref<!tpu.dma_semaphore, #tpu.memory_space<semaphore_mem>>)
      } else {
      }
    }
    %scan3A_47 = arith.constant 25 : i32
    %barrier3A_48 = arith.constant 0 : index
    tpu.barrier barrier_id(%barrier3A_48)
    %mul3A_49 = arith.constant 640 : i32
    %mul3A_50 = arith.muli %arg1, %mul3A_49 : i32
    %eq3A = arith.constant 0 : i32
    %eq3A_51 = arith.cmpi eq, %arg0, %eq3A : i32
    %convert_element_type3A = arith.extui %eq3A_51 : i1 to i32
    %cond3A = arith.constant 0 : i32
    %cond3A_52 = arith.cmpi ne, %convert_element_type3A, %cond3A : i32
    scf.if %cond3A_52 {
      "tpu.region"() ({
        %run_scoped3A_58 = tpu.sem_alloc : memref<!tpu.dma_semaphore, #tpu.memory_space<semaphore_mem>>
        %dma_start3A_59 = arith.constant 0 : i32
        %dma_start3A_60 = tpu.memref_slice %arg5[%mul3A_50, %dma_start3A_59] : memref<10240x128xf32, #tpu.memory_space<hbm>> -> memref<640x128xf32, #tpu.memory_space<hbm>>
        %dma_start3A_61 = arith.constant 0 : i32
        %dma_start3A_62 = tpu.memref_slice %arg11[%mul3A_50, %dma_start3A_61] : memref<10240x128xf32, #tpu.memory_space<vmem_shared>> -> memref<640x128xf32, #tpu.memory_space<vmem_shared>>
        tpu.enqueue_dma source(%dma_start3A_62 : memref<640x128xf32, #tpu.memory_space<vmem_shared>>) target(%dma_start3A_60 : memref<640x128xf32, #tpu.memory_space<hbm>>) target_semaphore(%run_scoped3A_58 : memref<!tpu.dma_semaphore, #tpu.memory_space<semaphore_mem>>)
        %dma_wait3A = arith.constant 0 : i32
        %dma_wait3A_63 = tpu.memref_slice %arg5[%mul3A_50, %dma_wait3A] : memref<10240x128xf32, #tpu.memory_space<hbm>> -> memref<640x128xf32, #tpu.memory_space<hbm>>
        %dma_wait3A_64 = arith.constant 0 : i32
        %dma_wait3A_65 = tpu.memref_slice %arg11[%mul3A_50, %dma_wait3A_64] : memref<10240x128xf32, #tpu.memory_space<vmem_shared>> -> memref<640x128xf32, #tpu.memory_space<vmem_shared>>
        tpu.wait_dma2 semaphore(%run_scoped3A_58 : memref<!tpu.dma_semaphore, #tpu.memory_space<semaphore_mem>>) src(%dma_wait3A_65 : memref<640x128xf32, #tpu.memory_space<vmem_shared>>) dst(%dma_wait3A_63 : memref<640x128xf32, #tpu.memory_space<hbm>>)
        tpu.yield
      }) : () -> ()
    } else {
    }
    %eq3A_53 = arith.constant 1 : i32
    %eq3A_54 = arith.cmpi eq, %arg0, %eq3A_53 : i32
    %convert_element_type3A_55 = arith.extui %eq3A_54 : i1 to i32
    %cond3A_56 = arith.constant 0 : i32
    %cond3A_57 = arith.cmpi ne, %convert_element_type3A_55, %cond3A_56 : i32
    scf.if %cond3A_57 {
      "tpu.region"() ({
        %run_scoped3A_58 = tpu.sem_alloc : memref<!tpu.dma_semaphore, #tpu.memory_space<semaphore_mem>>
        %dma_start3A_59 = arith.constant 0 : i32
        %dma_start3A_60 = tpu.memref_slice %arg6[%mul3A_50, %dma_start3A_59] : memref<10240x128xf32, #tpu.memory_space<hbm>> -> memref<640x128xf32, #tpu.memory_space<hbm>>
        %dma_start3A_61 = arith.constant 0 : i32
        %dma_start3A_62 = tpu.memref_slice %arg11[%mul3A_50, %dma_start3A_61] : memref<10240x128xf32, #tpu.memory_space<vmem_shared>> -> memref<640x128xf32, #tpu.memory_space<vmem_shared>>
        tpu.enqueue_dma source(%dma_start3A_62 : memref<640x128xf32, #tpu.memory_space<vmem_shared>>) target(%dma_start3A_60 : memref<640x128xf32, #tpu.memory_space<hbm>>) target_semaphore(%run_scoped3A_58 : memref<!tpu.dma_semaphore, #tpu.memory_space<semaphore_mem>>)
        %dma_wait3A = arith.constant 0 : i32
        %dma_wait3A_63 = tpu.memref_slice %arg6[%mul3A_50, %dma_wait3A] : memref<10240x128xf32, #tpu.memory_space<hbm>> -> memref<640x128xf32, #tpu.memory_space<hbm>>
        %dma_wait3A_64 = arith.constant 0 : i32
        %dma_wait3A_65 = tpu.memref_slice %arg11[%mul3A_50, %dma_wait3A_64] : memref<10240x128xf32, #tpu.memory_space<vmem_shared>> -> memref<640x128xf32, #tpu.memory_space<vmem_shared>>
        tpu.wait_dma2 semaphore(%run_scoped3A_58 : memref<!tpu.dma_semaphore, #tpu.memory_space<semaphore_mem>>) src(%dma_wait3A_65 : memref<640x128xf32, #tpu.memory_space<vmem_shared>>) dst(%dma_wait3A_63 : memref<640x128xf32, #tpu.memory_space<hbm>>)
        tpu.yield
      }) : () -> ()
    } else {
    }
    return
  }
}

module attributes {stable_mosaic.version = 14 : i64} {
  func.func @_mm_body(%arg0: memref<10000x128xf32, #tpu.memory_space<vmem>>, %arg1: memref<128x128xf32, #tpu.memory_space<vmem>>, %arg2: memref<10240x128xf32, #tpu.memory_space<vmem>>) attributes {dimension_semantics = [], scalar_prefetch = 0 : i64, scratch_operands = 0 : i64, tpu.core_type = #tpu.core_type<tc>} {
    %get3A = arith.constant 0 : index
    %get3A_0 = arith.constant 0 : index
    %get3A_1 = vector.load %arg0[%get3A, %get3A_0] : memref<10000x128xf32, #tpu.memory_space<vmem>>, vector<10000x128xf32>
    %get3A_2 = arith.constant 0 : index
    %get3A_3 = arith.constant 0 : index
    %get3A_4 = vector.load %arg1[%get3A_2, %get3A_3] : memref<128x128xf32, #tpu.memory_space<vmem>>, vector<128x128xf32>
    %dot_general3A = arith.constant dense<0.000000e+00> : vector<10000x128xf32>
    %dot_general3A_5 = tpu.matmul %get3A_1, %get3A_4, %dot_general3A {dimension_numbers = #tpu.dot_dimension_numbers<[1], [0], [0], [1], [0, 0, 1, 1], [], []>, transpose_lhs_hint = false} : vector<10000x128xf32>, vector<128x128xf32>, vector<10000x128xf32> -> vector<10000x128xf32>
    %swap3A = arith.constant 0 : index
    %swap3A_6 = arith.constant 0 : index
    %swap3A_7 = vector.load %arg2[%swap3A, %swap3A_6] : memref<10240x128xf32, #tpu.memory_space<vmem>>, vector<10000x128xf32>
    tpu.vector_store %arg2[%swap3A, %swap3A_6], %dot_general3A_5 {strides = array<i32>} : memref<10240x128xf32, #tpu.memory_space<vmem>>, vector<10000x128xf32>,
    %broadcast_in_dim3A = arith.constant 0.000000e+00 : f32
    %broadcast_in_dim3A_8 = vector.broadcast %broadcast_in_dim3A : f32 to vector<240x128xf32>
    %swap3A_9 = arith.constant 10000 : index
    %swap3A_10 = arith.constant 0 : index
    %swap3A_11 = vector.load %arg2[%swap3A_9, %swap3A_10] : memref<10240x128xf32, #tpu.memory_space<vmem>>, vector<240x128xf32>
    tpu.vector_store %arg2[%swap3A_9, %swap3A_10], %broadcast_in_dim3A_8 {strides = array<i32>} : memref<10240x128xf32, #tpu.memory_space<vmem>>, vector<240x128xf32>,
    return
  }
}

module attributes {stable_mosaic.version = 14 : i64} {
  func.func @_deg_scale_body(%arg0: memref<32x10240xf32, #tpu.memory_space<vmem>>, %arg1: memref<10240x128xf32, #tpu.memory_space<vmem>>, %arg2: memref<10240x1xf32, #tpu.memory_space<vmem>>, %arg3: memref<10240x128xf32, #tpu.memory_space<vmem>>) attributes {dimension_semantics = [], scalar_prefetch = 0 : i64, scratch_operands = 0 : i64, tpu.core_type = #tpu.core_type<tc>} {
    %get3A = arith.constant 0 : index
    %get3A_0 = arith.constant 0 : index
    %get3A_1 = vector.load %arg0[%get3A, %get3A_0] : memref<32x10240xf32, #tpu.memory_space<vmem>>, vector<32x10240xf32>
    %reduce_sum3A = arith.constant dense<0.000000e+00> : vector<10240xf32>
    %reduce_sum3A_2 = vector.multi_reduction <add>, %get3A_1, %reduce_sum3A [0] : vector<32x10240xf32> to vector<10240xf32>
    %broadcast_in_dim3A = vector.shape_cast %reduce_sum3A_2 : vector<10240xf32> to vector<1x10240xf32>
    %add3A = arith.constant 1.000000e+00 : f32
    %add3A_3 = vector.broadcast %add3A : f32 to vector<1x10240xf32>
    %add3A_4 = arith.addf %add3A_3, %broadcast_in_dim3A : vector<1x10240xf32>
    %rsqrt3A = math.rsqrt %add3A_4 : vector<1x10240xf32>
    %transpose3A = tpu.transpose %rsqrt3A, [1, 0] : vector<1x10240xf32> -> vector<10240x1xf32>
    %swap3A = arith.constant 0 : index
    %swap3A_5 = arith.constant 0 : index
    %swap3A_6 = vector.load %arg2[%swap3A, %swap3A_5] : memref<10240x1xf32, #tpu.memory_space<vmem>>, vector<10240x1xf32>
    tpu.vector_store %arg2[%swap3A, %swap3A_5], %transpose3A {strides = array<i32>} : memref<10240x1xf32, #tpu.memory_space<vmem>>, vector<10240x1xf32>,
    %get3A_7 = arith.constant 0 : index
    %get3A_8 = arith.constant 0 : index
    %get3A_9 = vector.load %arg1[%get3A_7, %get3A_8] : memref<10240x128xf32, #tpu.memory_space<vmem>>, vector<10240x128xf32>
    %mul3A = vector.broadcast %transpose3A : vector<10240x1xf32> to vector<10240x128xf32>
    %mul3A_10 = arith.mulf %get3A_9, %mul3A : vector<10240x128xf32>
    %swap3A_11 = arith.constant 0 : index
    %swap3A_12 = arith.constant 0 : index
    %swap3A_13 = vector.load %arg3[%swap3A_11, %swap3A_12] : memref<10240x128xf32, #tpu.memory_space<vmem>>, vector<10240x128xf32>
    tpu.vector_store %arg3[%swap3A_11, %swap3A_12], %mul3A_10 {strides = array<i32>} : memref<10240x128xf32, #tpu.memory_space<vmem>>, vector<10240x128xf32>,
    return
  }
}

module attributes {stable_mosaic.version = 14 : i64} {
  func.func @_layer1_body(%arg0: memref<10240x128xf32, #tpu.memory_space<vmem>>, %arg1: memref<10240x128xf32, #tpu.memory_space<vmem>>, %arg2: memref<10240x128xf32, #tpu.memory_space<vmem>>, %arg3: memref<10240x1xf32, #tpu.memory_space<vmem>>, %arg4: memref<1x128xf32, #tpu.memory_space<vmem>>, %arg5: memref<10240x128xf32, #tpu.memory_space<vmem>>) attributes {dimension_semantics = [], scalar_prefetch = 0 : i64, scratch_operands = 0 : i64, tpu.core_type = #tpu.core_type<tc>} {
    %get3A = arith.constant 0 : index
    %get3A_0 = arith.constant 0 : index
    %get3A_1 = vector.load %arg3[%get3A, %get3A_0] : memref<10240x1xf32, #tpu.memory_space<vmem>>, vector<10240x1xf32>
    %get3A_2 = arith.constant 0 : index
    %get3A_3 = arith.constant 0 : index
    %get3A_4 = vector.load %arg0[%get3A_2, %get3A_3] : memref<10240x128xf32, #tpu.memory_space<vmem>>, vector<10240x128xf32>
    %get3A_5 = arith.constant 0 : index
    %get3A_6 = arith.constant 0 : index
    %get3A_7 = vector.load %arg1[%get3A_5, %get3A_6] : memref<10240x128xf32, #tpu.memory_space<vmem>>, vector<10240x128xf32>
    %add3A = arith.addf %get3A_4, %get3A_7 : vector<10240x128xf32>
    %get3A_8 = arith.constant 0 : index
    %get3A_9 = arith.constant 0 : index
    %get3A_10 = vector.load %arg2[%get3A_8, %get3A_9] : memref<10240x128xf32, #tpu.memory_space<vmem>>, vector<10240x128xf32>
    %add3A_11 = arith.addf %add3A, %get3A_10 : vector<10240x128xf32>
    %mul3A = vector.broadcast %get3A_1 : vector<10240x1xf32> to vector<10240x128xf32>
    %mul3A_12 = arith.mulf %mul3A, %add3A_11 : vector<10240x128xf32>
    %get3A_13 = arith.constant 0 : index
    %get3A_14 = arith.constant 0 : index
    %get3A_15 = vector.load %arg4[%get3A_13, %get3A_14] : memref<1x128xf32, #tpu.memory_space<vmem>>, vector<1x128xf32>
    %add3A_16 = vector.broadcast %get3A_15 : vector<1x128xf32> to vector<10240x128xf32>
    %add3A_17 = arith.addf %mul3A_12, %add3A_16 : vector<10240x128xf32>
    %max3A = arith.constant 0.000000e+00 : f32
    %max3A_18 = vector.broadcast %max3A : f32 to vector<10240x128xf32>
    %max3A_19 = arith.maximumf %add3A_17, %max3A_18 : vector<10240x128xf32>
    %mul3A_20 = vector.broadcast %get3A_1 : vector<10240x1xf32> to vector<10240x128xf32>
    %mul3A_21 = arith.mulf %max3A_19, %mul3A_20 : vector<10240x128xf32>
    %swap3A = arith.constant 0 : index
    %swap3A_22 = arith.constant 0 : index
    %swap3A_23 = vector.load %arg5[%swap3A, %swap3A_22] : memref<10240x128xf32, #tpu.memory_space<vmem>>, vector<10240x128xf32>
    tpu.vector_store %arg5[%swap3A, %swap3A_22], %mul3A_21 {strides = array<i32>} : memref<10240x128xf32, #tpu.memory_space<vmem>>, vector<10240x128xf32>,
    return
  }
}

module attributes {stable_mosaic.version = 14 : i64} {
  func.func @_final_body(%arg0: memref<10240x128xf32, #tpu.memory_space<vmem>>, %arg1: memref<10240x128xf32, #tpu.memory_space<vmem>>, %arg2: memref<10240x128xf32, #tpu.memory_space<vmem>>, %arg3: memref<10240x1xf32, #tpu.memory_space<vmem>>, %arg4: memref<128x16xf32, #tpu.memory_space<vmem>>, %arg5: memref<1x16xf32, #tpu.memory_space<vmem>>, %arg6: memref<10240x16xf32, #tpu.memory_space<vmem>>) attributes {dimension_semantics = [], scalar_prefetch = 0 : i64, scratch_operands = 0 : i64, tpu.core_type = #tpu.core_type<tc>} {
    %get3A = arith.constant 0 : index
    %get3A_0 = arith.constant 0 : index
    %get3A_1 = vector.load %arg3[%get3A, %get3A_0] : memref<10240x1xf32, #tpu.memory_space<vmem>>, vector<10240x1xf32>
    %get3A_2 = arith.constant 0 : index
    %get3A_3 = arith.constant 0 : index
    %get3A_4 = vector.load %arg0[%get3A_2, %get3A_3] : memref<10240x128xf32, #tpu.memory_space<vmem>>, vector<10240x128xf32>
    %get3A_5 = arith.constant 0 : index
    %get3A_6 = arith.constant 0 : index
    %get3A_7 = vector.load %arg1[%get3A_5, %get3A_6] : memref<10240x128xf32, #tpu.memory_space<vmem>>, vector<10240x128xf32>
    %add3A = arith.addf %get3A_4, %get3A_7 : vector<10240x128xf32>
    %get3A_8 = arith.constant 0 : index
    %get3A_9 = arith.constant 0 : index
    %get3A_10 = vector.load %arg2[%get3A_8, %get3A_9] : memref<10240x128xf32, #tpu.memory_space<vmem>>, vector<10240x128xf32>
    %add3A_11 = arith.addf %add3A, %get3A_10 : vector<10240x128xf32>
    %mul3A = vector.broadcast %get3A_1 : vector<10240x1xf32> to vector<10240x128xf32>
    %mul3A_12 = arith.mulf %mul3A, %add3A_11 : vector<10240x128xf32>
    %get3A_13 = arith.constant 0 : index
    %get3A_14 = arith.constant 0 : index
    %get3A_15 = vector.load %arg4[%get3A_13, %get3A_14] : memref<128x16xf32, #tpu.memory_space<vmem>>, vector<128x16xf32>
    %dot_general3A = arith.constant dense<0.000000e+00> : vector<10240x16xf32>
    %dot_general3A_16 = tpu.matmul %mul3A_12, %get3A_15, %dot_general3A {dimension_numbers = #tpu.dot_dimension_numbers<[1], [0], [0], [1], [0, 0, 1, 1], [], []>, transpose_lhs_hint = false} : vector<10240x128xf32>, vector<128x16xf32>, vector<10240x16xf32> -> vector<10240x16xf32>
    %get3A_17 = arith.constant 0 : index
    %get3A_18 = arith.constant 0 : index
    %get3A_19 = vector.load %arg5[%get3A_17, %get3A_18] : memref<1x16xf32, #tpu.memory_space<vmem>>, vector<1x16xf32>
    %add3A_20 = vector.broadcast %get3A_19 : vector<1x16xf32> to vector<10240x16xf32>
    %add3A_21 = arith.addf %dot_general3A_16, %add3A_20 : vector<10240x16xf32>
    %iota3A = tpu.iota {dimensions = array<i32: 1>} : vector<10240x16xi32>
    %lt3A = arith.constant 3 : i32
    %lt3A_22 = vector.broadcast %lt3A : i32 to vector<10240x16xi32>
    %lt3A_23 = arith.cmpi slt, %iota3A, %lt3A_22 : vector<10240x16xi32>
    %jit3A = arith.constant 0xFF800000 : f32
    %broadcast_in_dim3A = vector.broadcast %jit3A : f32 to vector<10240x16xf32>
    %select_n3A = arith.select %lt3A_23, %add3A_21, %broadcast_in_dim3A : vector<10240x16xi1>, vector<10240x16xf32>
    %reduce_max3A = arith.constant dense<0xFF800000> : vector<10240xf32>
    %reduce_max3A_24 = vector.multi_reduction <maximumf>, %select_n3A, %reduce_max3A [1] : vector<10240x16xf32> to vector<10240xf32>
    %broadcast_in_dim3A_25 = vector.shape_cast %reduce_max3A_24 : vector<10240xf32> to vector<10240x1xf32>
    %sub3A = vector.broadcast %broadcast_in_dim3A_25 : vector<10240x1xf32> to vector<10240x16xf32>
    %sub3A_26 = arith.subf %add3A_21, %sub3A : vector<10240x16xf32>
    %exp3A = math.exp %sub3A_26 : vector<10240x16xf32>
    %jit3A_27 = arith.constant 0.000000e+00 : f32
    %broadcast_in_dim3A_28 = vector.broadcast %jit3A_27 : f32 to vector<10240x16xf32>
    %select_n3A_29 = arith.select %lt3A_23, %exp3A, %broadcast_in_dim3A_28 : vector<10240x16xi1>, vector<10240x16xf32>
    %reduce_sum3A = arith.constant dense<0.000000e+00> : vector<10240xf32>
    %reduce_sum3A_30 = vector.multi_reduction <add>, %select_n3A_29, %reduce_sum3A [1] : vector<10240x16xf32> to vector<10240xf32>
    %broadcast_in_dim3A_31 = vector.shape_cast %reduce_sum3A_30 : vector<10240xf32> to vector<10240x1xf32>
    %log3A = math.log %broadcast_in_dim3A_31 : vector<10240x1xf32>
    %sub3A_32 = vector.broadcast %broadcast_in_dim3A_25 : vector<10240x1xf32> to vector<10240x16xf32>
    %sub3A_33 = arith.subf %add3A_21, %sub3A_32 : vector<10240x16xf32>
    %sub3A_34 = vector.broadcast %log3A : vector<10240x1xf32> to vector<10240x16xf32>
    %sub3A_35 = arith.subf %sub3A_33, %sub3A_34 : vector<10240x16xf32>
    %swap3A = arith.constant 0 : index
    %swap3A_36 = arith.constant 0 : index
    %swap3A_37 = vector.load %arg6[%swap3A, %swap3A_36] : memref<10240x16xf32, #tpu.memory_space<vmem>>, vector<10240x16xf32>
    tpu.vector_store %arg6[%swap3A, %swap3A_36], %sub3A_35 {strides = array<i32>} : memref<10240x16xf32, #tpu.memory_space<vmem>>, vector<10240x16xf32>,
    return
  }
}

</mosaic_0001>

<sc_bundles>
// kernel: kernel.12.cloned.1.call-start
scs
__scs_entry_jumppad:
0x0: {  	(pc) =	sbr.rel $0x88, $3  }
0x1: {  	(tag) =	ssettag $0x0;
	lr =	simm.s32 $0x1  }
0x2: {  	[smem:$0x3F9B] =	sst lr;
	_ =	strace $0xD0000000  }
0x3: {  	_ = 	snop  }
0x4: {  	_ = 	snop  }
0x5: {  	_ = 	snop  }
0x6: {  	_ = 	snop  }
0x7: {  	_ = 	snop  }
__scs_overlays_trampoline_lowered:
0x8: {  	[smem:$0x3FAA] =	sst s0  }
0x9: {  	[smem:$0x3FAB] =	sst s1  }
0xa: {  	[smem:$0x3FAC] =	sst s2  }
0xb: {  	[smem:$0x3FAD] =	sst s3  }
0xc: {  	[smem:$0x3FAE] =	sst s4  }
0xd: {  	[smem:$0x3FAF] =	sst s5  }
0xe: {  	[smem:$0x3FB0] =	sst s6  }
0xf: {  	[smem:$0x3FB1] =	sst s7  }
0x10: {  	[smem:$0x3FB2] =	sst s8  }
0x11: {  	[smem:$0x3FB3] =	sst s9;
	s0 =	simm.s32 @!p0 $0x0  }
0x12: {  	s1 =	sld [smem:$0x3F99];
	s0 =	simm.s32 @p0 $0x1  }
0x13: {  	[smem:$0x3FB4] =	sst s0;
	s0 =	simm.s32 @!p1 $0x0  }
0x14: {  	s2 =	sld [smem:$0x3F98];
	s0 =	simm.s32 @p1 $0x1  }
0x15: {  	[smem:$0x3FB5] =	sst s0;
	s0 =	simm.s32 @!p2 $0x0  }
0x16: {  	s3 =	sld [smem:$0x3FDB];
	s0 =	simm.s32 @p2 $0x1  }
0x17: {  	s4 =	simm.s32 $0x1BF5;
	[smem:$0x3FB7] =	sst s0  }
0x18: {  	s0 =	sld [smem:$0x3F9A];
	_ =	swait.ge [sflag:s4], $0x0  }
0x19: {  	s7 =	sld [smem:$0x3F9B]  }
0x1a: {  	s8 =	sadd.s32 $0xFFFFE003, lr  }
0x1b: {  	s9 =	sadd.s32 $0xFFFFFEF7, lr;
	s5 =	simm.s32 $0xFFFFFFFF;
	p2 =	slt.u32 s8, $0xFFFFF086  }
0x1c: {  	p1 =	slt.u32 s9, $0xF7A;
	s5 =	simm.s32 @!p2 $0x0  }
0x1d: {  	s5 =	simm.s32 @p1 $0x1;
	p0 =	seq.s32 s7, s2  }
0x1e: {  	s7 =	smul.u32 @!p0 $0xF7A, s2;
	p2 =	seq.s32 @!p0 s5, $0x0  }
0x1f: {  	s9 =	smul.u32 $0xF7A, s1;
	s8 =	simm.s32 @!p0 $0x1BF5;
	p2 =	por !p2, p0  }
0x20: {  	[sflag:s8] =	ssyncset.s32 @!p0 $0xFFFFF086;
	s6 =	sadd.s32 @!p0 s3, s7;
	s7 =	simm.s32 @!p0 $0x108  }
0x21: {  	s3 =	sadd.s32 s3, s9;
	s6 =	sadd.s32 @!p0 $0x88, s6;
	s7 =	simm.s32 @p2 $0x1082  }
0x22: {  	[simem:s7], [sflag:s8] =	dma.local @!p0 [hbm:s6], $0xF7A  }
0x23: {  	s9 =	sor.u32 $0xD0000000, s2;
	s6 =	simm.s32 $0x108;
	_ =	swait.ge @!p0 [sflag:s8], $0x0  }
0x24: {  	s3 =	sadd.s32 $0x88, s3;
	s6 =	simm.s32 @!p1 $0x1082;
	[sflag:s4] =	ssyncset.s32 $0xFFFFF086  }
0x25: {  	[simem:s6], [sflag:s4] =	dma.local [hbm:s3], $0xF7A  }
0x26: {  	[smem:$0x3F9B] =	sst s1;
	(tag) =	ssettag s2;
	_ =	strace s9  }
0x27: {  	s1 =	sld [smem:$0x3FAB]  }
0x28: {  	s2 =	sld [smem:$0x3FAC]  }
0x29: {  	s4 =	sld [smem:$0x3FAE]  }
0x2a: {  	p0 =	seq.s32 s5, $0x0;
	s5 =	sld [smem:$0x3FAF]  }
0x2b: {  	s6 =	sld [smem:$0x3FB0]  }
0x2c: {  	s7 =	sld [smem:$0x3FB1]  }
0x2d: {  	s3 =	simm.s32 $0x108;
	s8 =	sld [smem:$0x3FB2]  }
0x2e: {  	s3 =	simm.s32 @!p0 $0x1082;
	s9 =	sld [smem:$0x3FB3]  }
0x2f: {  	lr =	sadd.s32 s0, s3;
	s0 =	sld [smem:$0x3FAA]  }
0x30: {  	s3 =	sld [smem:$0x3FAD]  }
0x31: {  	[smem:$0x3FB6] =	sst s10  }
0x32: {  	s10 =	sld [smem:$0x3FB4];
	_ =	sdelay $0x3  }
0x33: {  	p0 =	seq.s32 s10, $0x1;
	s10 =	sld [smem:$0x3FB6];
	_ =	sdelay $0x3  }
0x34: {  	[smem:$0x3FB6] =	sst s10  }
0x35: {  	s10 =	sld [smem:$0x3FB5];
	_ =	sdelay $0x3  }
0x36: {  	p1 =	seq.s32 s10, $0x1;
	s10 =	sld [smem:$0x3FB6];
	_ =	sdelay $0x3  }
0x37: {  	[smem:$0x3FB6] =	sst s10  }
0x38: {  	s10 =	sld [smem:$0x3FB7]  }
0x39: {  	_ = 	snop;
	(pc) =	sbr.ind lr, $3  }
0x3a: {  	_ = 	snop  }
0x3b: {  	_ = 	snop  }
0x3c: {  	p2 =	seq.s32 s10, $0x1;
	s10 =	sld [smem:$0x3FB6]  }
0x3d: {  	_ =	shalt  }
0x3e: {  	_ =	shalt  }
0x3f: {  	_ =	shalt  }
0x40: {  	_ =	shalt  }
0x41: {  	_ =	shalt  }
0x42: {  	_ =	shalt  }
0x43: {  	_ =	shalt  }
0x44: {  	_ =	shalt  }
0x45: {  	_ =	shalt  }
0x46: {  	_ =	shalt  }
0x47: {  	_ =	shalt  }
0x48: {  	_ =	shalt  }
0x49: {  	_ =	shalt  }
0x4a: {  	_ =	shalt  }
0x4b: {  	_ =	shalt  }
0x4c: {  	_ =	shalt  }
0x4d: {  	_ =	shalt  }
0x4e: {  	_ =	shalt  }
0x4f: {  	_ =	shalt  }
0x50: {  	_ =	shalt  }
0x51: {  	_ =	shalt  }
0x52: {  	_ =	shalt  }
0x53: {  	_ =	shalt  }
0x54: {  	_ =	shalt  }
0x55: {  	_ =	shalt  }
0x56: {  	_ =	shalt  }
0x57: {  	_ =	shalt  }
0x58: {  	_ =	shalt  }
0x59: {  	_ =	shalt  }
0x5a: {  	_ =	shalt  }
0x5b: {  	_ =	shalt  }
0x5c: {  	_ =	shalt  }
0x5d: {  	_ =	shalt  }
0x5e: {  	_ =	shalt  }
0x5f: {  	_ =	shalt  }
0x60: {  	_ =	shalt  }
0x61: {  	_ =	shalt  }
0x62: {  	_ =	shalt  }
0x63: {  	_ =	shalt  }
0x64: {  	_ =	shalt  }
0x65: {  	_ =	shalt  }
0x66: {  	_ =	shalt  }
0x67: {  	_ =	shalt  }
0x68: {  	_ =	shalt  }
0x69: {  	_ =	shalt  }
0x6a: {  	_ =	shalt  }
0x6b: {  	_ =	shalt  }
0x6c: {  	_ =	shalt  }
0x6d: {  	_ =	shalt  }
0x6e: {  	_ =	shalt  }
0x6f: {  	_ =	shalt  }
0x70: {  	_ =	shalt  }
0x71: {  	_ =	shalt  }
0x72: {  	_ =	shalt  }
0x73: {  	_ =	shalt  }
0x74: {  	_ =	shalt  }
0x75: {  	_ =	shalt  }
0x76: {  	_ =	shalt  }
0x77: {  	_ =	shalt  }
0x78: {  	_ =	shalt  }
0x79: {  	_ =	shalt  }
0x7a: {  	_ =	shalt  }
0x7b: {  	_ =	shalt  }
0x7c: {  	_ =	shalt  }
0x7d: {  	_ =	shalt  }
0x7e: {  	_ =	shalt  }
0x7f: {  	_ =	shalt  }
0x80: {  	_ =	shalt  }
0x81: {  	_ =	shalt  }
0x82: {  	_ =	shalt  }
0x83: {  	_ =	shalt  }
0x84: {  	_ =	shalt  }
0x85: {  	_ =	shalt  }
0x86: {  	_ =	shalt  }
0x87: {  	_ =	shalt  }
.Lfunc_end0:
.L_simem_size_0:
called_computation.1_lowered:
.L_overlay_start_0:
0x88: {  	s2 =	sld [smem:$0x3FD9]  }
0x89: {  	s3 =	sld [smem:$0x3FFE];
	_ =	sdelay $0x1  }
0x8a: {  	s1 =	srdreg.scid  }
0x8b: {  	s0 =	sand.u32 $0x1, s1  }
0x8c: {  	s16 =	sshll.u32 s0, $0xA;
	s2 =	sadd.s32 s3, s2  }
0x8d: {  	s2 =	sadd.s32 s2, s16  }
0x8e: {  	[smem:$0x3FC2] =	sst s2  }
0x8f: {  	_ = 	snop  }
0x90: {  	(tm) =	ssettm $0x1  }
0x91: {  	s17 =	sld [smem:$0x3FFB];
	_ =	sdelay $0x3  }
0x92: {  	_ =	strace s17  }
0x93: {  	s2 =	sld [smem:$0x3FFC];
	_ =	sdelay $0x3  }
0x94: {  	_ =	strace s2  }
0x95: {  	s2 =	sld [smem:$0x3FFD];
	_ =	sdelay $0x3  }
0x96: {  	_ =	strace s2  }
0x97: {  	_ =	strace $0x8FFFFFFF  }
0x98: {  	s18 =	sld [smem:$0x3FDB];
	_ =	sdelay $0x1  }
0x99: {  	s19 =	simm.s32 $_scs_section_size  }
0x9a: {  	s4 =	simm.s32 $_size__tile_overlayer_lowered;
	s5 =	simm.s32 $_tile_overlayer_lowered  }
0x9b: {  	s22 =	simm.s32 $0x1BFF;
	s21 =	sshll.u32 s5, $0x1;
	s2 =	sadd.s32 s19, s18  }
0x9c: {  	s6 =	simm.s32 $0x0;
	s20 =	sshll.u32 s4, $0x1;
	s4 =	sadd.s32 s21, s2  }
0x9d: {  	[timem:s6], [sflag:s22] =	dma.local [hbm:s4], s20  }
0x9e: {  	_ =	swait.ge [sflag:s22], s20  }
0x9f: {  	s3 =	ssub.s32 $0x0, s20;
	[sflag:s22] =	ssyncset.done $0x0  }
0xa0: {  	[sflag:s22] =	ssyncadd.s32 s3;
	_ =	sdelay $0x1  }
0xa1: {  	s23 =	simm.s32 $0x1B8B  }
0xa2: {  	_ =	swait.ge [sflag:s23], $0x1  }
0xa3: {  	[sflag:s23] =	ssyncset.done $0x0  }
0xa4: {  	s25 =	simm.s32 $0x1B8E;
	s24 =	sld [smem:$0x3FFE];
	[sflag:s23] =	ssyncadd.s32 $0xFFFFFFFF  }
0xa5: {  	s26 =	simm.s32 $execute0_lowered;
	[smem:$0x3FD2] =	sst s25  }
0xa6: {  	s4 =	sshll.u32 s26, $0x1;
	_ =	strace $0x80000049;
	[dreg:$0x1] =	wrdreg $0xFFFFFFFF  }
0xa7: {  	s28 =	simm.s32 $_size_execute0_lowered;
	s2 =	sadd.s32 s2, s4;
	[dreg:$0x0] =	wrdreg $0x0  }
0xa8: {  	s4 =	sshll.u32 s28, $0x1;
	[dreg:$0x2] =	wrdreg s2  }
0xa9: {  	[dreg:$0x3] =	wrdreg s4  }
0xaa: {  	[dreg:$0x4] =	wrdreg $0xC0  }
0xab: {  	_ =	task [dreg:s6], $0x5FFFF  }
0xac: {  	[dreg:$0x1] =	wrdreg $0xFFFFFFFF  }
0xad: {  	[dreg:$0x0] =	wrdreg $0x60  }
0xae: {  	[dreg:$0x2] =	wrdreg s24  }
0xaf: {  	[dreg:$0x3] =	wrdreg $0xA0000  }
0xb0: {  	[dreg:$0x4] =	wrdreg $0x9  }
0xb1: {  	_ =	task.clear_ibuf [dreg:s6], $0x5FFFF;
	_ =	strace $0x90000049  }
0xb2: {  	s29 =	simm.s32 $0x9;
	_ =	strace $0x8000004B  }
0xb3: {  	_ =	swait.ge [sflag:s29], $0x1  }
0xb4: {  	[sflag:s29] =	ssyncadd.s32 $0xFFFFFFFF  }
0xb5: {  	_ =	strace $0x9000004B  }
0xb6: {  	_ =	sfence  }
0xb7: {  	s30 =	sld [smem:$0x0];
	_ =	sdelay $0x2  }
0xb8: {  	s31 =	sshll.u32 s1, $0xD;
	s1 =	sshrl.u32 s1, $0x2  }
0xb9: {  	s3 =	sand.u32 $0x4000, s31;
	s1 =	sadd.s32 s1, s30  }
0xba: {  	s0 =	sor.u32 s3, s0;
	s1 =	sshll.u32 s1, $0x11  }
0xbb: {  	s0 =	sor.u32 s1, s0  }
0xbc: {  	s0 =	sadd.s32 $0x8F2B, s0  }
0xbd: {  	[sflag:s0] =	ssyncadd.remote.s32 $0x1  }
0xbe: {  	_ =	sfence.sel $0xFFFF  }
0xbf: {  	[dreg:$0x0] =	wrdreg $0xFFFFFFFF;
	(pc) =	sbr.abs _section_cstart, $3  }
0xc0: {  	[dreg:$0x1] =	wrdreg $0xFFFFFFFF  }
0xc1: {  	_ =	task.clear_ibuf [dreg:s6], $0x2FFFF;
	_ =	strace $0x9FFFFFFF  }
0xc2: {  	(tm) =	ssettm $0x7FFFFFFF  }
0xc3: {  	_ =	shalt  }
tec
execute0_lowered:
.L_overlay_start_1:
0x0: {  	(tag) =	ssettag $0x1  }
0x1: {  	s0 =	srdreg.scid;
	s5 =	rddreg [dreg:$0x0]  }
0x2: {  	s2 =	rddreg [dreg:$0x1];
	s1 =	stileid.u32;
	s3 =	simm.s32 $0x0  }
0x3: {  	s15 =	simm.s32 $0xDD000;
	s16 =	simm.s32 $0x64;
	s17 =	simm.s32 $0x3800  }
0x4: {  	s18 =	simm.s32 $0x80;
	s19 =	simm.s32 $0x6C00;
	s20 =	simm.s32 $0x1  }
0x5: {  	s21 =	simm.s32 $0x2;
	s22 =	simm.s32 $0x3400;
	s23 =	simm.s32 $0x3480  }
0x6: {  	s8 =	sand.u32 $0x1, s0;
	s0 =	rddreg [dreg:$0x2];
	s7 =	smul.u32 $0x2800, s1  }
0x7: {  	s24 =	simm.s32 $0x0;
	[smem:$0x7FF] =	sst s3;
	s10 =	smul.u32 $0x50000, s1  }
0x8: {  	s31 =	sshll.u32 s1, $0x6;
	s4 =	sshll.u32 s8, $0x4;
	_ =	strace $0x8000004A  }
0x9: {  	s9 =	ssub.s32 $0x2, s8;
	p0 =	seq.s32 s8, $0x1;
	s4 =	sor.u32 s1, s4  }
0xa: {  	s12 =	sadd.s32 s7, s5;
	s29 =	sshrl.u32 s9, $0x1;
	s6 =	smul.u32 $0x3800, s4  }
0xb: {  	s30 =	sshrl.u32 s10, $0x2;
	s15 =	simm.s32 @!p0 $0xB5000;
	s4 =	sadd.s32 $0x3D000, s5  }
0xc: {  	s13 =	ssub.s32 s9, s29;
	s14 =	sadd.s32 s30, s2;
	s6 =	sshrl.u32 s6, $0x3  }
0xd: {  	s11 =	sadd.s32 s6, s5;
	s5 =	sadd.s32 $0x8D000, s12;
	s6 =	sor.u32 $0x1C03, s31  }
0xe: {  	s12 =	sadd.s32 s15, s12;
	s15 =	simm.s32 $0x1C00;
	s7 =	sadd.s32 $0x21000, s11  }
0xf: {  	s8 =	sadd.s32 $0x2F000, s11;
	s9 =	sadd.s32 $0x21380, s11;
	s10 =	sadd.s32 $0x2F380, s11  }
0x10: {  	s11 =	smax.u32 s13, $0x1;
	s13 =	sshrl.u32 s14, $0x3;
	s14 =	simm.s32 $0x3  }
.LBB2_1:
0x11: {  	[spmem:s13], [sflag:s6] =	dma.local [hbm:s5], $0x2800  }
0x12: {  	_ =	swait.ge [sflag:s14], $0x2800  }
0x13: {  	[sflag:s14] =	ssyncset.done $0x0  }
0x14: {  	[sflag:s14] =	ssyncadd.s32 $0xFFFFD800  }
0x15: {  	[bflag:$0x0] =	sbarrier.arrive $0xFFFF  }
0x16: {  	[tilespmem:s3], [sflag:$0x3] =	stream.linear.gather [hbm4b:s7+s3], $0x1900, $0x38;
	[tilespmem:$0x1E000] =	vst v63  }
0x17: {  	_ =	swait.ge [sflag:s14], $0x1900  }
0x18: {  	[sflag:s14] =	ssyncset.done $0x0  }
0x19: {  	[sflag:s14] =	ssyncadd.s32 $0xFFFFE700  }
0x1a: {  	[tilespmem:s15], [sflag:$0x3] =	stream.linear.gather [hbm4b:s8+s3], $0x1900, $0x38;
	[tilespmem:$0x1E000] =	vst v63  }
0x1b: {  	_ =	swait.ge [sflag:s14], $0x1900  }
0x1c: {  	[sflag:s14] =	ssyncset.done $0x0  }
0x1d: {  	[sflag:s14] =	ssyncadd.s32 $0xFFFFE700  }
0x1e: {  	[tilespmem:s17], [sflag:$0x1] =	stream.indirect.gather [hbm4b:s4+s16], $0x80, s3, s16, $0xb8;
	[tilespmem:$0x1E000] =	vst v63  }
0x1f: {  	_ = 	snop  }
0x20: {  	[tilespmem:s19], [sflag:$0x2] =	stream.indirect.gather [hbm4b:s4+s16], $0x80, s18, s16, $0xb8;
	[tilespmem:$0x1E000] =	vst v63  }
0x21: {  	_ =	swait.ge [sflag:s20], $0x3200  }
0x22: {  	[sflag:s20] =	ssyncset.done $0x0  }
0x23: {  	s25 =	simm.s32 $0x1C00;
	[sflag:s20] =	ssyncadd.s32 $0xFFFFCE00  }
0x24: {  	[spmem:s2] =	stream.indirect.scatter.add.f32 [tilespmem:s17], [sflag:$0x3], $0x80, s25, s16, $0xb8;
	[tilespmem:$0x1E000] =	vst v63  }
0x25: {  	_ =	swait.ge [sflag:s14], $0x3200  }
0x26: {  	[sflag:s14] =	ssyncset.done $0x0  }
0x27: {  	s30 =	simm.s32 $0x100;
	[sflag:s14] =	ssyncadd.s32 $0xFFFFCE00  }
0x28: {  	[tilespmem:s17], [sflag:$0x1] =	stream.indirect.gather [hbm4b:s4+s16], $0x80, s30, s16, $0xb8;
	[tilespmem:$0x1E000] =	vst v63  }
0x29: {  	_ =	swait.ge [sflag:s21], $0x3200  }
0x2a: {  	[sflag:s21] =	ssyncset.done $0x0  }
0x2b: {  	s31 =	simm.s32 $0x1C80;
	[sflag:s21] =	ssyncadd.s32 $0xFFFFCE00  }
0x2c: {  	[spmem:s2] =	stream.indirect.scatter.add.f32 [tilespmem:s19], [sflag:$0x3], $0x80, s31, s16, $0xb8;
	[tilespmem:$0x1E000] =	vst v63  }
0x2d: {  	_ =	swait.ge [sflag:s14], $0x3200  }
0x2e: {  	[sflag:s14] =	ssyncset.done $0x0  }
0x2f: {  	s26 =	simm.s32 $0x180;
	s25 =	simm.s32 $0x400;
	[sflag:s14] =	ssyncadd.s32 $0xFFFFCE00  }
.LBB2_2:
0x30: {  	[tilespmem:s19], [sflag:$0x2] =	stream.indirect.gather [hbm4b:s4+s16], $0x80, s26, s16, $0xb8;
	[tilespmem:$0x1E000] =	vst v63  }
0x31: {  	s26 =	smov.u32 s25  }
0x32: {  	p0 =	sne.s32 s25, $0x5C00;
	s25 =	sadd.s32 $0x400, s25;
	_ =	swait.ge [sflag:s20], $0x3200  }
0x33: {  	s26 =	sshra.s32 s26, $0x2;
	[sflag:s20] =	ssyncset.done $0x0  }
0x34: {  	s28 =	sadd.s32 $0x1C00, s26;
	[sflag:s20] =	ssyncadd.s32 $0xFFFFCE00  }
0x35: {  	[spmem:s2] =	stream.indirect.scatter.add.f32 [tilespmem:s17], [sflag:$0x3], $0x80, s28, s16, $0xb8;
	[tilespmem:$0x1E000] =	vst v63  }
0x36: {  	_ =	swait.ge [sflag:s14], $0x3200  }
0x37: {  	[sflag:s14] =	ssyncset.done $0x0  }
0x38: {  	s28 =	sadd.s32 $0x100, s26;
	[sflag:s14] =	ssyncadd.s32 $0xFFFFCE00  }
0x39: {  	[tilespmem:s17], [sflag:$0x1] =	stream.indirect.gather [hbm4b:s4+s16], $0x80, s28, s16, $0xb8;
	[tilespmem:$0x1E000] =	vst v63  }
0x3a: {  	_ =	swait.ge [sflag:s21], $0x3200  }
0x3b: {  	[sflag:s21] =	ssyncset.done $0x0  }
.Ltmp0:
0x3c: {  	s28 =	sadd.s32 $0x1C80, s26;
	[sflag:s21] =	ssyncadd.s32 $0xFFFFCE00;
	(pc) =	sbr.rel @p0 .LBB2_2-.Ltmp0, $4  }
0x3d: {  	[spmem:s2] =	stream.indirect.scatter.add.f32 [tilespmem:s19], [sflag:$0x3], $0x80, s28, s16, $0xb8;
	[tilespmem:$0x1E000] =	vst v63  }
0x3e: {  	_ =	swait.ge [sflag:s14], $0x3200  }
0x3f: {  	[sflag:s14] =	ssyncset.done $0x0  }
0x40: {  	s26 =	sadd.s32 $0x180, s26;
	[sflag:s14] =	ssyncadd.s32 $0xFFFFCE00  }
0x41: {  	[tilespmem:s19], [sflag:$0x2] =	stream.indirect.gather [hbm4b:s4+s16], $0x80, s26, s16, $0xb8;
	[tilespmem:$0x1E000] =	vst v63  }
0x42: {  	_ =	swait.ge [sflag:s20], $0x3200  }
0x43: {  	[sflag:s20] =	ssyncset.done $0x0  }
0x44: {  	[sflag:s20] =	ssyncadd.s32 $0xFFFFCE00  }
0x45: {  	[spmem:s2] =	stream.indirect.scatter.add.f32 [tilespmem:s17], [sflag:$0x3], $0x80, s22, s16, $0xb8;
	[tilespmem:$0x1E000] =	vst v63  }
0x46: {  	_ =	swait.ge [sflag:s14], $0x3200  }
0x47: {  	[sflag:s14] =	ssyncset.done $0x0  }
0x48: {  	[sflag:s14] =	ssyncadd.s32 $0xFFFFCE00  }
0x49: {  	_ =	swait.ge [sflag:s21], $0x3200  }
0x4a: {  	[sflag:s21] =	ssyncset.done $0x0  }
0x4b: {  	[sflag:s21] =	ssyncadd.s32 $0xFFFFCE00  }
0x4c: {  	[spmem:s2] =	stream.indirect.scatter.add.f32 [tilespmem:s19], [sflag:$0x3], $0x80, s23, s16, $0xb8;
	[tilespmem:$0x1E000] =	vst v63  }
0x4d: {  	_ =	swait.ge [sflag:s14], $0x3200  }
0x4e: {  	[sflag:s14] =	ssyncset.done $0x0  }
0x4f: {  	s25 =	simm.s32 $0x0;
	[sflag:s14] =	ssyncadd.s32 $0xFFFFCE00  }
0x50: {  	[tilespmem:s25], [sflag:$0x3] =	stream.linear.gather [hbm4b:s9+s25], $0x1900, $0x38;
	[tilespmem:$0x1E000] =	vst v63  }
0x51: {  	_ =	swait.ge [sflag:s14], $0x1900  }
0x52: {  	[sflag:s14] =	ssyncset.done $0x0  }
0x53: {  	[sflag:s14] =	ssyncadd.s32 $0xFFFFE700  }
0x54: {  	[tilespmem:s15], [sflag:$0x3] =	stream.linear.gather [hbm4b:s10+s25], $0x1900, $0x38;
	[tilespmem:$0x1E000] =	vst v63  }
0x55: {  	_ =	swait.ge [sflag:s14], $0x1900  }
0x56: {  	[sflag:s14] =	ssyncset.done $0x0  }
0x57: {  	[sflag:s14] =	ssyncadd.s32 $0xFFFFE700  }
0x58: {  	[tilespmem:s17], [sflag:$0x1] =	stream.indirect.gather [hbm4b:s4+s16], $0x80, s25, s16, $0xb8;
	[tilespmem:$0x1E000] =	vst v63  }
0x59: {  	_ = 	snop  }
0x5a: {  	[tilespmem:s19], [sflag:$0x2] =	stream.indirect.gather [hbm4b:s4+s16], $0x80, s18, s16, $0xb8;
	[tilespmem:$0x1E000] =	vst v63  }
0x5b: {  	_ =	swait.ge [sflag:s20], $0x3200  }
0x5c: {  	[sflag:s20] =	ssyncset.done $0x0  }
0x5d: {  	s29 =	simm.s32 $0x1C00;
	[sflag:s20] =	ssyncadd.s32 $0xFFFFCE00  }
0x5e: {  	[spmem:s2] =	stream.indirect.scatter.add.f32 [tilespmem:s17], [sflag:$0x3], $0x80, s29, s16, $0xb8;
	[tilespmem:$0x1E000] =	vst v63  }
0x5f: {  	_ =	swait.ge [sflag:s14], $0x3200  }
0x60: {  	[sflag:s14] =	ssyncset.done $0x0  }
0x61: {  	s30 =	simm.s32 $0x100;
	[sflag:s14] =	ssyncadd.s32 $0xFFFFCE00  }
0x62: {  	[tilespmem:s17], [sflag:$0x1] =	stream.indirect.gather [hbm4b:s4+s16], $0x80, s30, s16, $0xb8;
	[tilespmem:$0x1E000] =	vst v63  }
0x63: {  	_ =	swait.ge [sflag:s21], $0x3200  }
0x64: {  	[sflag:s21] =	ssyncset.done $0x0  }
0x65: {  	s31 =	simm.s32 $0x1C80;
	[sflag:s21] =	ssyncadd.s32 $0xFFFFCE00  }
0x66: {  	[spmem:s2] =	stream.indirect.scatter.add.f32 [tilespmem:s19], [sflag:$0x3], $0x80, s31, s16, $0xb8;
	[tilespmem:$0x1E000] =	vst v63  }
0x67: {  	_ =	swait.ge [sflag:s14], $0x3200  }
0x68: {  	[sflag:s14] =	ssyncset.done $0x0  }
0x69: {  	s26 =	simm.s32 $0x180;
	s25 =	simm.s32 $0x400;
	[sflag:s14] =	ssyncadd.s32 $0xFFFFCE00  }
.LBB2_4:
0x6a: {  	[tilespmem:s19], [sflag:$0x2] =	stream.indirect.gather [hbm4b:s4+s16], $0x80, s26, s16, $0xb8;
	[tilespmem:$0x1E000] =	vst v63  }
0x6b: {  	s26 =	smov.u32 s25  }
0x6c: {  	p0 =	sne.s32 s25, $0x5C00;
	s25 =	sadd.s32 $0x400, s25;
	_ =	swait.ge [sflag:s20], $0x3200  }
0x6d: {  	s26 =	sshra.s32 s26, $0x2;
	[sflag:s20] =	ssyncset.done $0x0  }
0x6e: {  	s28 =	sadd.s32 $0x1C00, s26;
	[sflag:s20] =	ssyncadd.s32 $0xFFFFCE00  }
0x6f: {  	[spmem:s2] =	stream.indirect.scatter.add.f32 [tilespmem:s17], [sflag:$0x3], $0x80, s28, s16, $0xb8;
	[tilespmem:$0x1E000] =	vst v63  }
0x70: {  	_ =	swait.ge [sflag:s14], $0x3200  }
0x71: {  	[sflag:s14] =	ssyncset.done $0x0  }
0x72: {  	s28 =	sadd.s32 $0x100, s26;
	[sflag:s14] =	ssyncadd.s32 $0xFFFFCE00  }
0x73: {  	[tilespmem:s17], [sflag:$0x1] =	stream.indirect.gather [hbm4b:s4+s16], $0x80, s28, s16, $0xb8;
	[tilespmem:$0x1E000] =	vst v63  }
0x74: {  	_ =	swait.ge [sflag:s21], $0x3200  }
0x75: {  	[sflag:s21] =	ssyncset.done $0x0  }
.Ltmp1:
0x76: {  	s28 =	sadd.s32 $0x1C80, s26;
	[sflag:s21] =	ssyncadd.s32 $0xFFFFCE00;
	(pc) =	sbr.rel @p0 .LBB2_4-.Ltmp1, $4  }
0x77: {  	[spmem:s2] =	stream.indirect.scatter.add.f32 [tilespmem:s19], [sflag:$0x3], $0x80, s28, s16, $0xb8;
	[tilespmem:$0x1E000] =	vst v63  }
0x78: {  	_ =	swait.ge [sflag:s14], $0x3200  }
0x79: {  	[sflag:s14] =	ssyncset.done $0x0  }
0x7a: {  	s26 =	sadd.s32 $0x180, s26;
	[sflag:s14] =	ssyncadd.s32 $0xFFFFCE00  }
0x7b: {  	[tilespmem:s19], [sflag:$0x2] =	stream.indirect.gather [hbm4b:s4+s16], $0x80, s26, s16, $0xb8;
	[tilespmem:$0x1E000] =	vst v63  }
0x7c: {  	_ =	swait.ge [sflag:s20], $0x3200  }
0x7d: {  	[sflag:s20] =	ssyncset.done $0x0  }
0x7e: {  	[sflag:s20] =	ssyncadd.s32 $0xFFFFCE00  }
0x7f: {  	[spmem:s2] =	stream.indirect.scatter.add.f32 [tilespmem:s17], [sflag:$0x3], $0x80, s22, s16, $0xb8;
	[tilespmem:$0x1E000] =	vst v63  }
0x80: {  	_ =	swait.ge [sflag:s14], $0x3200  }
0x81: {  	[sflag:s14] =	ssyncset.done $0x0  }
0x82: {  	[sflag:s14] =	ssyncadd.s32 $0xFFFFCE00  }
0x83: {  	_ =	swait.ge [sflag:s21], $0x3200  }
0x84: {  	[sflag:s21] =	ssyncset.done $0x0  }
0x85: {  	[sflag:s21] =	ssyncadd.s32 $0xFFFFCE00  }
0x86: {  	[spmem:s2] =	stream.indirect.scatter.add.f32 [tilespmem:s19], [sflag:$0x3], $0x80, s23, s16, $0xb8;
	[tilespmem:$0x1E000] =	vst v63  }
0x87: {  	_ =	swait.ge [sflag:s14], $0x3200  }
0x88: {  	s24 =	sadd.s32 $0x1, s24;
	[sflag:s14] =	ssyncset.done $0x0  }
0x89: {  	p0 =	sne.s32 s24, s11;
	[sflag:s14] =	ssyncadd.s32 $0xFFFFCE00  }
.Ltmp2:
0x8a: {  	[bflag:$0x0] =	sbarrier.arrive $0xFFFF;
	(pc) =	sbr.rel @p0 .LBB2_1-.Ltmp2, $4  }
0x8b: {  	[hbm:s12], [sflag:s6] =	dma.local [spmem:s13], $0x2800  }
0x8c: {  	_ =	swait.ge [sflag:s14], $0x2800  }
0x8d: {  	[sflag:s14] =	ssyncset.done $0x0  }
0x8e: {  	[sflag:s14] =	ssyncadd.s32 $0xFFFFD800  }
0x8f: {  	_ =	sfence.sel $0x180000  }
0x90: {  	[bflag:$0x0] =	sbarrier.arrive $0xFFFF  }
0x91: {  	p0 =	sne.s32 s1, $0x0;
	_ =	strace $0x9000004A  }
0x92: {  	s0 =	sadd.s32 @!p0 $0x100000, s0;
	[bflag:$0x2] =	sbarrier.arrive $0xFFFF  }
0x93: {  	[sflag:s0] =	ssyncadd.tile.s32 @!p0 $0x1;
	_ =	shalt  }
.Lfunc_end2:
_tile_overlayer_lowered:
.L_overlay_start_2:
0x94: {  	(tag) =	ssettag $0x2  }
0x95: {  	s0 =	rddreg [dreg:$0x0];
	s2 =	stileid.u32  }
0x96: {  	s1 =	rddreg [dreg:$0x1];
	p0 =	sne.s32 s2, $0x0  }
0x97: {  	s3 =	rddreg [dreg:$0x2];
	[bflag:$0x3] =	sbarrier.arrive $0xFFFF;
	s2 =	simm.s32 @!p0 $0x1C03  }
0x98: {  	[timem:s3], [sflag:s2] =	dma.local @!p0 [hbm:s0], s1  }
0x99: {  	s0 =	simm.s32 @!p0 $0x3  }
0x9a: {  	_ =	swait.ge @!p0 [sflag:s0], s1  }
0x9b: {  	s1 =	ssub.s32 @!p0 $0x0, s1;
	[sflag:s0] =	ssyncset.done @!p0 $0x0  }
0x9c: {  	[sflag:s0] =	ssyncadd.s32 @!p0 s1  }
0x9d: {  	[bflag:$0x3] =	sbarrier.arrive $0xFFFF  }
0x9e: {  	_ =	shalt  }

// kernel: kernel.15.cloned.1.call-start
scs
__scs_entry_jumppad:
0x0: {  	(pc) =	sbr.rel $0x88, $3  }
0x1: {  	(tag) =	ssettag $0x0;
	lr =	simm.s32 $0x1  }
0x2: {  	[smem:$0x3F9B] =	sst lr;
	_ =	strace $0xD0000000  }
0x3: {  	_ = 	snop  }
0x4: {  	_ = 	snop  }
0x5: {  	_ = 	snop  }
0x6: {  	_ = 	snop  }
0x7: {  	_ = 	snop  }
__scs_overlays_trampoline_lowered:
0x8: {  	[smem:$0x3FAA] =	sst s0  }
0x9: {  	[smem:$0x3FAB] =	sst s1  }
0xa: {  	[smem:$0x3FAC] =	sst s2  }
0xb: {  	[smem:$0x3FAD] =	sst s3  }
0xc: {  	[smem:$0x3FAE] =	sst s4  }
0xd: {  	[smem:$0x3FAF] =	sst s5  }
0xe: {  	[smem:$0x3FB0] =	sst s6  }
0xf: {  	[smem:$0x3FB1] =	sst s7  }
0x10: {  	[smem:$0x3FB2] =	sst s8  }
0x11: {  	[smem:$0x3FB3] =	sst s9;
	s0 =	simm.s32 @!p0 $0x0  }
0x12: {  	s1 =	sld [smem:$0x3F99];
	s0 =	simm.s32 @p0 $0x1  }
0x13: {  	[smem:$0x3FB4] =	sst s0;
	s0 =	simm.s32 @!p1 $0x0  }
0x14: {  	s2 =	sld [smem:$0x3F98];
	s0 =	simm.s32 @p1 $0x1  }
0x15: {  	[smem:$0x3FB5] =	sst s0;
	s0 =	simm.s32 @!p2 $0x0  }
0x16: {  	s3 =	sld [smem:$0x3FDB];
	s0 =	simm.s32 @p2 $0x1  }
0x17: {  	s4 =	simm.s32 $0x1BF5;
	[smem:$0x3FB7] =	sst s0  }
0x18: {  	s0 =	sld [smem:$0x3F9A];
	_ =	swait.ge [sflag:s4], $0x0  }
0x19: {  	s7 =	sld [smem:$0x3F9B]  }
0x1a: {  	s8 =	sadd.s32 $0xFFFFE003, lr  }
0x1b: {  	s9 =	sadd.s32 $0xFFFFFEF7, lr;
	s5 =	simm.s32 $0xFFFFFFFF;
	p2 =	slt.u32 s8, $0xFFFFF086  }
0x1c: {  	p1 =	slt.u32 s9, $0xF7A;
	s5 =	simm.s32 @!p2 $0x0  }
0x1d: {  	s5 =	simm.s32 @p1 $0x1;
	p0 =	seq.s32 s7, s2  }
0x1e: {  	s7 =	smul.u32 @!p0 $0xF7A, s2;
	p2 =	seq.s32 @!p0 s5, $0x0  }
0x1f: {  	s9 =	smul.u32 $0xF7A, s1;
	s8 =	simm.s32 @!p0 $0x1BF5;
	p2 =	por !p2, p0  }
0x20: {  	[sflag:s8] =	ssyncset.s32 @!p0 $0xFFFFF086;
	s6 =	sadd.s32 @!p0 s3, s7;
	s7 =	simm.s32 @!p0 $0x108  }
0x21: {  	s3 =	sadd.s32 s3, s9;
	s6 =	sadd.s32 @!p0 $0x88, s6;
	s7 =	simm.s32 @p2 $0x1082  }
0x22: {  	[simem:s7], [sflag:s8] =	dma.local @!p0 [hbm:s6], $0xF7A  }
0x23: {  	s9 =	sor.u32 $0xD0000000, s2;
	s6 =	simm.s32 $0x108;
	_ =	swait.ge @!p0 [sflag:s8], $0x0  }
0x24: {  	s3 =	sadd.s32 $0x88, s3;
	s6 =	simm.s32 @!p1 $0x1082;
	[sflag:s4] =	ssyncset.s32 $0xFFFFF086  }
0x25: {  	[simem:s6], [sflag:s4] =	dma.local [hbm:s3], $0xF7A  }
0x26: {  	[smem:$0x3F9B] =	sst s1;
	(tag) =	ssettag s2;
	_ =	strace s9  }
0x27: {  	s1 =	sld [smem:$0x3FAB]  }
0x28: {  	s2 =	sld [smem:$0x3FAC]  }
0x29: {  	s4 =	sld [smem:$0x3FAE]  }
0x2a: {  	p0 =	seq.s32 s5, $0x0;
	s5 =	sld [smem:$0x3FAF]  }
0x2b: {  	s6 =	sld [smem:$0x3FB0]  }
0x2c: {  	s7 =	sld [smem:$0x3FB1]  }
0x2d: {  	s3 =	simm.s32 $0x108;
	s8 =	sld [smem:$0x3FB2]  }
0x2e: {  	s3 =	simm.s32 @!p0 $0x1082;
	s9 =	sld [smem:$0x3FB3]  }
0x2f: {  	lr =	sadd.s32 s0, s3;
	s0 =	sld [smem:$0x3FAA]  }
0x30: {  	s3 =	sld [smem:$0x3FAD]  }
0x31: {  	[smem:$0x3FB6] =	sst s10  }
0x32: {  	s10 =	sld [smem:$0x3FB4];
	_ =	sdelay $0x3  }
0x33: {  	p0 =	seq.s32 s10, $0x1;
	s10 =	sld [smem:$0x3FB6];
	_ =	sdelay $0x3  }
0x34: {  	[smem:$0x3FB6] =	sst s10  }
0x35: {  	s10 =	sld [smem:$0x3FB5];
	_ =	sdelay $0x3  }
0x36: {  	p1 =	seq.s32 s10, $0x1;
	s10 =	sld [smem:$0x3FB6];
	_ =	sdelay $0x3  }
0x37: {  	[smem:$0x3FB6] =	sst s10  }
0x38: {  	s10 =	sld [smem:$0x3FB7]  }
0x39: {  	_ = 	snop;
	(pc) =	sbr.ind lr, $3  }
0x3a: {  	_ = 	snop  }
0x3b: {  	_ = 	snop  }
0x3c: {  	p2 =	seq.s32 s10, $0x1;
	s10 =	sld [smem:$0x3FB6]  }
0x3d: {  	_ =	shalt  }
0x3e: {  	_ =	shalt  }
0x3f: {  	_ =	shalt  }
0x40: {  	_ =	shalt  }
0x41: {  	_ =	shalt  }
0x42: {  	_ =	shalt  }
0x43: {  	_ =	shalt  }
0x44: {  	_ =	shalt  }
0x45: {  	_ =	shalt  }
0x46: {  	_ =	shalt  }
0x47: {  	_ =	shalt  }
0x48: {  	_ =	shalt  }
0x49: {  	_ =	shalt  }
0x4a: {  	_ =	shalt  }
0x4b: {  	_ =	shalt  }
0x4c: {  	_ =	shalt  }
0x4d: {  	_ =	shalt  }
0x4e: {  	_ =	shalt  }
0x4f: {  	_ =	shalt  }
0x50: {  	_ =	shalt  }
0x51: {  	_ =	shalt  }
0x52: {  	_ =	shalt  }
0x53: {  	_ =	shalt  }
0x54: {  	_ =	shalt  }
0x55: {  	_ =	shalt  }
0x56: {  	_ =	shalt  }
0x57: {  	_ =	shalt  }
0x58: {  	_ =	shalt  }
0x59: {  	_ =	shalt  }
0x5a: {  	_ =	shalt  }
0x5b: {  	_ =	shalt  }
0x5c: {  	_ =	shalt  }
0x5d: {  	_ =	shalt  }
0x5e: {  	_ =	shalt  }
0x5f: {  	_ =	shalt  }
0x60: {  	_ =	shalt  }
0x61: {  	_ =	shalt  }
0x62: {  	_ =	shalt  }
0x63: {  	_ =	shalt  }
0x64: {  	_ =	shalt  }
0x65: {  	_ =	shalt  }
0x66: {  	_ =	shalt  }
0x67: {  	_ =	shalt  }
0x68: {  	_ =	shalt  }
0x69: {  	_ =	shalt  }
0x6a: {  	_ =	shalt  }
0x6b: {  	_ =	shalt  }
0x6c: {  	_ =	shalt  }
0x6d: {  	_ =	shalt  }
0x6e: {  	_ =	shalt  }
0x6f: {  	_ =	shalt  }
0x70: {  	_ =	shalt  }
0x71: {  	_ =	shalt  }
0x72: {  	_ =	shalt  }
0x73: {  	_ =	shalt  }
0x74: {  	_ =	shalt  }
0x75: {  	_ =	shalt  }
0x76: {  	_ =	shalt  }
0x77: {  	_ =	shalt  }
0x78: {  	_ =	shalt  }
0x79: {  	_ =	shalt  }
0x7a: {  	_ =	shalt  }
0x7b: {  	_ =	shalt  }
0x7c: {  	_ =	shalt  }
0x7d: {  	_ =	shalt  }
0x7e: {  	_ =	shalt  }
0x7f: {  	_ =	shalt  }
0x80: {  	_ =	shalt  }
0x81: {  	_ =	shalt  }
0x82: {  	_ =	shalt  }
0x83: {  	_ =	shalt  }
0x84: {  	_ =	shalt  }
0x85: {  	_ =	shalt  }
0x86: {  	_ =	shalt  }
0x87: {  	_ =	shalt  }
.Lfunc_end0:
.L_simem_size_0:
called_computation.2_lowered:
.L_overlay_start_0:
0x88: {  	s2 =	sld [smem:$0x3FD9]  }
0x89: {  	s3 =	sld [smem:$0x3FFE];
	_ =	sdelay $0x1  }
0x8a: {  	s1 =	srdreg.scid  }
0x8b: {  	s0 =	sand.u32 $0x1, s1  }
0x8c: {  	s16 =	sshll.u32 s0, $0xA;
	s2 =	sadd.s32 s3, s2  }
0x8d: {  	s2 =	sadd.s32 s2, s16  }
0x8e: {  	[smem:$0x3FC2] =	sst s2  }
0x8f: {  	_ = 	snop  }
0x90: {  	(tm) =	ssettm $0x1  }
0x91: {  	s17 =	sld [smem:$0x3FFB];
	_ =	sdelay $0x3  }
0x92: {  	_ =	strace s17  }
0x93: {  	s2 =	sld [smem:$0x3FFC];
	_ =	sdelay $0x3  }
0x94: {  	_ =	strace s2  }
0x95: {  	s2 =	sld [smem:$0x3FFD];
	_ =	sdelay $0x3  }
0x96: {  	_ =	strace s2  }
0x97: {  	_ =	strace $0x8FFFFFFF  }
0x98: {  	s18 =	sld [smem:$0x3FDB];
	_ =	sdelay $0x1  }
0x99: {  	s19 =	simm.s32 $_scs_section_size  }
0x9a: {  	s4 =	simm.s32 $_size__tile_overlayer_lowered;
	s5 =	simm.s32 $_tile_overlayer_lowered  }
0x9b: {  	s22 =	simm.s32 $0x1BFF;
	s21 =	sshll.u32 s5, $0x1;
	s2 =	sadd.s32 s19, s18  }
0x9c: {  	s6 =	simm.s32 $0x0;
	s20 =	sshll.u32 s4, $0x1;
	s4 =	sadd.s32 s21, s2  }
0x9d: {  	[timem:s6], [sflag:s22] =	dma.local [hbm:s4], s20  }
0x9e: {  	_ =	swait.ge [sflag:s22], s20  }
0x9f: {  	s3 =	ssub.s32 $0x0, s20;
	[sflag:s22] =	ssyncset.done $0x0  }
0xa0: {  	[sflag:s22] =	ssyncadd.s32 s3;
	_ =	sdelay $0x1  }
0xa1: {  	s23 =	simm.s32 $0x1B8B  }
0xa2: {  	_ =	swait.ge [sflag:s23], $0x1  }
0xa3: {  	[sflag:s23] =	ssyncset.done $0x0  }
0xa4: {  	s25 =	simm.s32 $0x1B8E;
	s24 =	sld [smem:$0x3FFE];
	[sflag:s23] =	ssyncadd.s32 $0xFFFFFFFF  }
0xa5: {  	s26 =	simm.s32 $execute0_lowered;
	[smem:$0x3FD2] =	sst s25  }
0xa6: {  	s4 =	sshll.u32 s26, $0x1;
	_ =	strace $0x8000004C;
	[dreg:$0x1] =	wrdreg $0xFFFFFFFF  }
0xa7: {  	s28 =	simm.s32 $_size_execute0_lowered;
	s2 =	sadd.s32 s2, s4;
	[dreg:$0x0] =	wrdreg $0x0  }
0xa8: {  	s4 =	sshll.u32 s28, $0x1;
	[dreg:$0x2] =	wrdreg s2  }
0xa9: {  	[dreg:$0x3] =	wrdreg s4  }
0xaa: {  	[dreg:$0x4] =	wrdreg $0xC0  }
0xab: {  	_ =	task [dreg:s6], $0x5FFFF  }
0xac: {  	[dreg:$0x1] =	wrdreg $0xFFFFFFFF  }
0xad: {  	[dreg:$0x0] =	wrdreg $0x60  }
0xae: {  	[dreg:$0x2] =	wrdreg s24  }
0xaf: {  	[dreg:$0x3] =	wrdreg $0xA0000  }
0xb0: {  	[dreg:$0x4] =	wrdreg $0x9  }
0xb1: {  	_ =	task.clear_ibuf [dreg:s6], $0x5FFFF;
	_ =	strace $0x9000004C  }
0xb2: {  	s29 =	simm.s32 $0x9;
	_ =	strace $0x8000004E  }
0xb3: {  	_ =	swait.ge [sflag:s29], $0x1  }
0xb4: {  	[sflag:s29] =	ssyncadd.s32 $0xFFFFFFFF  }
0xb5: {  	_ =	strace $0x9000004E  }
0xb6: {  	_ =	sfence  }
0xb7: {  	s30 =	sld [smem:$0x0];
	_ =	sdelay $0x2  }
0xb8: {  	s31 =	sshll.u32 s1, $0xD;
	s1 =	sshrl.u32 s1, $0x2  }
0xb9: {  	s3 =	sand.u32 $0x4000, s31;
	s1 =	sadd.s32 s1, s30  }
0xba: {  	s0 =	sor.u32 s3, s0;
	s1 =	sshll.u32 s1, $0x11  }
0xbb: {  	s0 =	sor.u32 s1, s0  }
0xbc: {  	s0 =	sadd.s32 $0x8F2B, s0  }
0xbd: {  	[sflag:s0] =	ssyncadd.remote.s32 $0x1  }
0xbe: {  	_ =	sfence.sel $0xFFFF  }
0xbf: {  	[dreg:$0x0] =	wrdreg $0xFFFFFFFF;
	(pc) =	sbr.abs _section_cstart, $3  }
0xc0: {  	[dreg:$0x1] =	wrdreg $0xFFFFFFFF  }
0xc1: {  	_ =	task.clear_ibuf [dreg:s6], $0x2FFFF;
	_ =	strace $0x9FFFFFFF  }
0xc2: {  	(tm) =	ssettm $0x7FFFFFFF  }
0xc3: {  	_ =	shalt  }
tec
execute0_lowered:
.L_overlay_start_1:
0x0: {  	(tag) =	ssettag $0x1  }
0x1: {  	s0 =	srdreg.scid;
	s5 =	rddreg [dreg:$0x0]  }
0x2: {  	s2 =	rddreg [dreg:$0x1];
	s1 =	stileid.u32;
	s3 =	simm.s32 $0x0  }
0x3: {  	s15 =	simm.s32 $0xDD000;
	s16 =	simm.s32 $0x64;
	s17 =	simm.s32 $0x3800  }
0x4: {  	s18 =	simm.s32 $0x80;
	s19 =	simm.s32 $0x6C00;
	s20 =	simm.s32 $0x1  }
0x5: {  	s21 =	simm.s32 $0x2;
	s22 =	simm.s32 $0x3400;
	s23 =	simm.s32 $0x3480  }
0x6: {  	s8 =	sand.u32 $0x1, s0;
	s0 =	rddreg [dreg:$0x2];
	s7 =	smul.u32 $0x2800, s1  }
0x7: {  	s24 =	simm.s32 $0x0;
	[smem:$0x7FF] =	sst s3;
	s10 =	smul.u32 $0x50000, s1  }
0x8: {  	s31 =	sshll.u32 s1, $0x6;
	s4 =	sshll.u32 s8, $0x4;
	_ =	strace $0x8000004D  }
0x9: {  	s9 =	ssub.s32 $0x2, s8;
	p0 =	seq.s32 s8, $0x1;
	s4 =	sor.u32 s1, s4  }
0xa: {  	s12 =	sadd.s32 s7, s5;
	s29 =	sshrl.u32 s9, $0x1;
	s6 =	smul.u32 $0x3800, s4  }
0xb: {  	s30 =	sshrl.u32 s10, $0x2;
	s15 =	simm.s32 @!p0 $0xB5000;
	s4 =	sadd.s32 $0x3D000, s5  }
0xc: {  	s13 =	ssub.s32 s9, s29;
	s14 =	sadd.s32 s30, s2;
	s6 =	sshrl.u32 s6, $0x3  }
0xd: {  	s11 =	sadd.s32 s6, s5;
	s5 =	sadd.s32 $0x8D000, s12;
	s6 =	sor.u32 $0x1C03, s31  }
0xe: {  	s12 =	sadd.s32 s15, s12;
	s15 =	simm.s32 $0x1C00;
	s7 =	sadd.s32 $0x21000, s11  }
0xf: {  	s8 =	sadd.s32 $0x2F000, s11;
	s9 =	sadd.s32 $0x21380, s11;
	s10 =	sadd.s32 $0x2F380, s11  }
0x10: {  	s11 =	smax.u32 s13, $0x1;
	s13 =	sshrl.u32 s14, $0x3;
	s14 =	simm.s32 $0x3  }
.LBB2_1:
0x11: {  	[spmem:s13], [sflag:s6] =	dma.local [hbm:s5], $0x2800  }
0x12: {  	_ =	swait.ge [sflag:s14], $0x2800  }
0x13: {  	[sflag:s14] =	ssyncset.done $0x0  }
0x14: {  	[sflag:s14] =	ssyncadd.s32 $0xFFFFD800  }
0x15: {  	[bflag:$0x0] =	sbarrier.arrive $0xFFFF  }
0x16: {  	[tilespmem:s3], [sflag:$0x3] =	stream.linear.gather [hbm4b:s7+s3], $0x1900, $0x38;
	[tilespmem:$0x1E000] =	vst v63  }
0x17: {  	_ =	swait.ge [sflag:s14], $0x1900  }
0x18: {  	[sflag:s14] =	ssyncset.done $0x0  }
0x19: {  	[sflag:s14] =	ssyncadd.s32 $0xFFFFE700  }
0x1a: {  	[tilespmem:s15], [sflag:$0x3] =	stream.linear.gather [hbm4b:s8+s3], $0x1900, $0x38;
	[tilespmem:$0x1E000] =	vst v63  }
0x1b: {  	_ =	swait.ge [sflag:s14], $0x1900  }
0x1c: {  	[sflag:s14] =	ssyncset.done $0x0  }
0x1d: {  	[sflag:s14] =	ssyncadd.s32 $0xFFFFE700  }
0x1e: {  	[tilespmem:s17], [sflag:$0x1] =	stream.indirect.gather [hbm4b:s4+s16], $0x80, s3, s16, $0xb8;
	[tilespmem:$0x1E000] =	vst v63  }
0x1f: {  	_ = 	snop  }
0x20: {  	[tilespmem:s19], [sflag:$0x2] =	stream.indirect.gather [hbm4b:s4+s16], $0x80, s18, s16, $0xb8;
	[tilespmem:$0x1E000] =	vst v63  }
0x21: {  	_ =	swait.ge [sflag:s20], $0x3200  }
0x22: {  	[sflag:s20] =	ssyncset.done $0x0  }
0x23: {  	s25 =	simm.s32 $0x1C00;
	[sflag:s20] =	ssyncadd.s32 $0xFFFFCE00  }
0x24: {  	[spmem:s2] =	stream.indirect.scatter.add.f32 [tilespmem:s17], [sflag:$0x3], $0x80, s25, s16, $0xb8;
	[tilespmem:$0x1E000] =	vst v63  }
0x25: {  	_ =	swait.ge [sflag:s14], $0x3200  }
0x26: {  	[sflag:s14] =	ssyncset.done $0x0  }
0x27: {  	s30 =	simm.s32 $0x100;
	[sflag:s14] =	ssyncadd.s32 $0xFFFFCE00  }
0x28: {  	[tilespmem:s17], [sflag:$0x1] =	stream.indirect.gather [hbm4b:s4+s16], $0x80, s30, s16, $0xb8;
	[tilespmem:$0x1E000] =	vst v63  }
0x29: {  	_ =	swait.ge [sflag:s21], $0x3200  }
0x2a: {  	[sflag:s21] =	ssyncset.done $0x0  }
0x2b: {  	s31 =	simm.s32 $0x1C80;
	[sflag:s21] =	ssyncadd.s32 $0xFFFFCE00  }
0x2c: {  	[spmem:s2] =	stream.indirect.scatter.add.f32 [tilespmem:s19], [sflag:$0x3], $0x80, s31, s16, $0xb8;
	[tilespmem:$0x1E000] =	vst v63  }
0x2d: {  	_ =	swait.ge [sflag:s14], $0x3200  }
0x2e: {  	[sflag:s14] =	ssyncset.done $0x0  }
0x2f: {  	s26 =	simm.s32 $0x180;
	s25 =	simm.s32 $0x400;
	[sflag:s14] =	ssyncadd.s32 $0xFFFFCE00  }
.LBB2_2:
0x30: {  	[tilespmem:s19], [sflag:$0x2] =	stream.indirect.gather [hbm4b:s4+s16], $0x80, s26, s16, $0xb8;
	[tilespmem:$0x1E000] =	vst v63  }
0x31: {  	s26 =	smov.u32 s25  }
0x32: {  	p0 =	sne.s32 s25, $0x5C00;
	s25 =	sadd.s32 $0x400, s25;
	_ =	swait.ge [sflag:s20], $0x3200  }
0x33: {  	s26 =	sshra.s32 s26, $0x2;
	[sflag:s20] =	ssyncset.done $0x0  }
0x34: {  	s28 =	sadd.s32 $0x1C00, s26;
	[sflag:s20] =	ssyncadd.s32 $0xFFFFCE00  }
0x35: {  	[spmem:s2] =	stream.indirect.scatter.add.f32 [tilespmem:s17], [sflag:$0x3], $0x80, s28, s16, $0xb8;
	[tilespmem:$0x1E000] =	vst v63  }
0x36: {  	_ =	swait.ge [sflag:s14], $0x3200  }
0x37: {  	[sflag:s14] =	ssyncset.done $0x0  }
0x38: {  	s28 =	sadd.s32 $0x100, s26;
	[sflag:s14] =	ssyncadd.s32 $0xFFFFCE00  }
0x39: {  	[tilespmem:s17], [sflag:$0x1] =	stream.indirect.gather [hbm4b:s4+s16], $0x80, s28, s16, $0xb8;
	[tilespmem:$0x1E000] =	vst v63  }
0x3a: {  	_ =	swait.ge [sflag:s21], $0x3200  }
0x3b: {  	[sflag:s21] =	ssyncset.done $0x0  }
.Ltmp0:
0x3c: {  	s28 =	sadd.s32 $0x1C80, s26;
	[sflag:s21] =	ssyncadd.s32 $0xFFFFCE00;
	(pc) =	sbr.rel @p0 .LBB2_2-.Ltmp0, $4  }
0x3d: {  	[spmem:s2] =	stream.indirect.scatter.add.f32 [tilespmem:s19], [sflag:$0x3], $0x80, s28, s16, $0xb8;
	[tilespmem:$0x1E000] =	vst v63  }
0x3e: {  	_ =	swait.ge [sflag:s14], $0x3200  }
0x3f: {  	[sflag:s14] =	ssyncset.done $0x0  }
0x40: {  	s26 =	sadd.s32 $0x180, s26;
	[sflag:s14] =	ssyncadd.s32 $0xFFFFCE00  }
0x41: {  	[tilespmem:s19], [sflag:$0x2] =	stream.indirect.gather [hbm4b:s4+s16], $0x80, s26, s16, $0xb8;
	[tilespmem:$0x1E000] =	vst v63  }
0x42: {  	_ =	swait.ge [sflag:s20], $0x3200  }
0x43: {  	[sflag:s20] =	ssyncset.done $0x0  }
0x44: {  	[sflag:s20] =	ssyncadd.s32 $0xFFFFCE00  }
0x45: {  	[spmem:s2] =	stream.indirect.scatter.add.f32 [tilespmem:s17], [sflag:$0x3], $0x80, s22, s16, $0xb8;
	[tilespmem:$0x1E000] =	vst v63  }
0x46: {  	_ =	swait.ge [sflag:s14], $0x3200  }
0x47: {  	[sflag:s14] =	ssyncset.done $0x0  }
0x48: {  	[sflag:s14] =	ssyncadd.s32 $0xFFFFCE00  }
0x49: {  	_ =	swait.ge [sflag:s21], $0x3200  }
0x4a: {  	[sflag:s21] =	ssyncset.done $0x0  }
0x4b: {  	[sflag:s21] =	ssyncadd.s32 $0xFFFFCE00  }
0x4c: {  	[spmem:s2] =	stream.indirect.scatter.add.f32 [tilespmem:s19], [sflag:$0x3], $0x80, s23, s16, $0xb8;
	[tilespmem:$0x1E000] =	vst v63  }
0x4d: {  	_ =	swait.ge [sflag:s14], $0x3200  }
0x4e: {  	[sflag:s14] =	ssyncset.done $0x0  }
0x4f: {  	s25 =	simm.s32 $0x0;
	[sflag:s14] =	ssyncadd.s32 $0xFFFFCE00  }
0x50: {  	[tilespmem:s25], [sflag:$0x3] =	stream.linear.gather [hbm4b:s9+s25], $0x1900, $0x38;
	[tilespmem:$0x1E000] =	vst v63  }
0x51: {  	_ =	swait.ge [sflag:s14], $0x1900  }
0x52: {  	[sflag:s14] =	ssyncset.done $0x0  }
0x53: {  	[sflag:s14] =	ssyncadd.s32 $0xFFFFE700  }
0x54: {  	[tilespmem:s15], [sflag:$0x3] =	stream.linear.gather [hbm4b:s10+s25], $0x1900, $0x38;
	[tilespmem:$0x1E000] =	vst v63  }
0x55: {  	_ =	swait.ge [sflag:s14], $0x1900  }
0x56: {  	[sflag:s14] =	ssyncset.done $0x0  }
0x57: {  	[sflag:s14] =	ssyncadd.s32 $0xFFFFE700  }
0x58: {  	[tilespmem:s17], [sflag:$0x1] =	stream.indirect.gather [hbm4b:s4+s16], $0x80, s25, s16, $0xb8;
	[tilespmem:$0x1E000] =	vst v63  }
0x59: {  	_ = 	snop  }
0x5a: {  	[tilespmem:s19], [sflag:$0x2] =	stream.indirect.gather [hbm4b:s4+s16], $0x80, s18, s16, $0xb8;
	[tilespmem:$0x1E000] =	vst v63  }
0x5b: {  	_ =	swait.ge [sflag:s20], $0x3200  }
0x5c: {  	[sflag:s20] =	ssyncset.done $0x0  }
0x5d: {  	s29 =	simm.s32 $0x1C00;
	[sflag:s20] =	ssyncadd.s32 $0xFFFFCE00  }
0x5e: {  	[spmem:s2] =	stream.indirect.scatter.add.f32 [tilespmem:s17], [sflag:$0x3], $0x80, s29, s16, $0xb8;
	[tilespmem:$0x1E000] =	vst v63  }
0x5f: {  	_ =	swait.ge [sflag:s14], $0x3200  }
0x60: {  	[sflag:s14] =	ssyncset.done $0x0  }
0x61: {  	s30 =	simm.s32 $0x100;
	[sflag:s14] =	ssyncadd.s32 $0xFFFFCE00  }
0x62: {  	[tilespmem:s17], [sflag:$0x1] =	stream.indirect.gather [hbm4b:s4+s16], $0x80, s30, s16, $0xb8;
	[tilespmem:$0x1E000] =	vst v63  }
0x63: {  	_ =	swait.ge [sflag:s21], $0x3200  }
0x64: {  	[sflag:s21] =	ssyncset.done $0x0  }
0x65: {  	s31 =	simm.s32 $0x1C80;
	[sflag:s21] =	ssyncadd.s32 $0xFFFFCE00  }
0x66: {  	[spmem:s2] =	stream.indirect.scatter.add.f32 [tilespmem:s19], [sflag:$0x3], $0x80, s31, s16, $0xb8;
	[tilespmem:$0x1E000] =	vst v63  }
0x67: {  	_ =	swait.ge [sflag:s14], $0x3200  }
0x68: {  	[sflag:s14] =	ssyncset.done $0x0  }
0x69: {  	s26 =	simm.s32 $0x180;
	s25 =	simm.s32 $0x400;
	[sflag:s14] =	ssyncadd.s32 $0xFFFFCE00  }
.LBB2_4:
0x6a: {  	[tilespmem:s19], [sflag:$0x2] =	stream.indirect.gather [hbm4b:s4+s16], $0x80, s26, s16, $0xb8;
	[tilespmem:$0x1E000] =	vst v63  }
0x6b: {  	s26 =	smov.u32 s25  }
0x6c: {  	p0 =	sne.s32 s25, $0x5C00;
	s25 =	sadd.s32 $0x400, s25;
	_ =	swait.ge [sflag:s20], $0x3200  }
0x6d: {  	s26 =	sshra.s32 s26, $0x2;
	[sflag:s20] =	ssyncset.done $0x0  }
0x6e: {  	s28 =	sadd.s32 $0x1C00, s26;
	[sflag:s20] =	ssyncadd.s32 $0xFFFFCE00  }
0x6f: {  	[spmem:s2] =	stream.indirect.scatter.add.f32 [tilespmem:s17], [sflag:$0x3], $0x80, s28, s16, $0xb8;
	[tilespmem:$0x1E000] =	vst v63  }
0x70: {  	_ =	swait.ge [sflag:s14], $0x3200  }
0x71: {  	[sflag:s14] =	ssyncset.done $0x0  }
0x72: {  	s28 =	sadd.s32 $0x100, s26;
	[sflag:s14] =	ssyncadd.s32 $0xFFFFCE00  }
0x73: {  	[tilespmem:s17], [sflag:$0x1] =	stream.indirect.gather [hbm4b:s4+s16], $0x80, s28, s16, $0xb8;
	[tilespmem:$0x1E000] =	vst v63  }
0x74: {  	_ =	swait.ge [sflag:s21], $0x3200  }
0x75: {  	[sflag:s21] =	ssyncset.done $0x0  }
.Ltmp1:
0x76: {  	s28 =	sadd.s32 $0x1C80, s26;
	[sflag:s21] =	ssyncadd.s32 $0xFFFFCE00;
	(pc) =	sbr.rel @p0 .LBB2_4-.Ltmp1, $4  }
0x77: {  	[spmem:s2] =	stream.indirect.scatter.add.f32 [tilespmem:s19], [sflag:$0x3], $0x80, s28, s16, $0xb8;
	[tilespmem:$0x1E000] =	vst v63  }
0x78: {  	_ =	swait.ge [sflag:s14], $0x3200  }
0x79: {  	[sflag:s14] =	ssyncset.done $0x0  }
0x7a: {  	s26 =	sadd.s32 $0x180, s26;
	[sflag:s14] =	ssyncadd.s32 $0xFFFFCE00  }
0x7b: {  	[tilespmem:s19], [sflag:$0x2] =	stream.indirect.gather [hbm4b:s4+s16], $0x80, s26, s16, $0xb8;
	[tilespmem:$0x1E000] =	vst v63  }
0x7c: {  	_ =	swait.ge [sflag:s20], $0x3200  }
0x7d: {  	[sflag:s20] =	ssyncset.done $0x0  }
0x7e: {  	[sflag:s20] =	ssyncadd.s32 $0xFFFFCE00  }
0x7f: {  	[spmem:s2] =	stream.indirect.scatter.add.f32 [tilespmem:s17], [sflag:$0x3], $0x80, s22, s16, $0xb8;
	[tilespmem:$0x1E000] =	vst v63  }
0x80: {  	_ =	swait.ge [sflag:s14], $0x3200  }
0x81: {  	[sflag:s14] =	ssyncset.done $0x0  }
0x82: {  	[sflag:s14] =	ssyncadd.s32 $0xFFFFCE00  }
0x83: {  	_ =	swait.ge [sflag:s21], $0x3200  }
0x84: {  	[sflag:s21] =	ssyncset.done $0x0  }
0x85: {  	[sflag:s21] =	ssyncadd.s32 $0xFFFFCE00  }
0x86: {  	[spmem:s2] =	stream.indirect.scatter.add.f32 [tilespmem:s19], [sflag:$0x3], $0x80, s23, s16, $0xb8;
	[tilespmem:$0x1E000] =	vst v63  }
0x87: {  	_ =	swait.ge [sflag:s14], $0x3200  }
0x88: {  	s24 =	sadd.s32 $0x1, s24;
	[sflag:s14] =	ssyncset.done $0x0  }
0x89: {  	p0 =	sne.s32 s24, s11;
	[sflag:s14] =	ssyncadd.s32 $0xFFFFCE00  }
.Ltmp2:
0x8a: {  	[bflag:$0x0] =	sbarrier.arrive $0xFFFF;
	(pc) =	sbr.rel @p0 .LBB2_1-.Ltmp2, $4  }
0x8b: {  	[hbm:s12], [sflag:s6] =	dma.local [spmem:s13], $0x2800  }
0x8c: {  	_ =	swait.ge [sflag:s14], $0x2800  }
0x8d: {  	[sflag:s14] =	ssyncset.done $0x0  }
0x8e: {  	[sflag:s14] =	ssyncadd.s32 $0xFFFFD800  }
0x8f: {  	_ =	sfence.sel $0x180000  }
0x90: {  	[bflag:$0x0] =	sbarrier.arrive $0xFFFF  }
0x91: {  	p0 =	sne.s32 s1, $0x0;
	_ =	strace $0x9000004D  }
0x92: {  	s0 =	sadd.s32 @!p0 $0x100000, s0;
	[bflag:$0x2] =	sbarrier.arrive $0xFFFF  }
0x93: {  	[sflag:s0] =	ssyncadd.tile.s32 @!p0 $0x1;
	_ =	shalt  }
.Lfunc_end2:
_tile_overlayer_lowered:
.L_overlay_start_2:
0x94: {  	(tag) =	ssettag $0x2  }
0x95: {  	s0 =	rddreg [dreg:$0x0];
	s2 =	stileid.u32  }
0x96: {  	s1 =	rddreg [dreg:$0x1];
	p0 =	sne.s32 s2, $0x0  }
0x97: {  	s3 =	rddreg [dreg:$0x2];
	[bflag:$0x3] =	sbarrier.arrive $0xFFFF;
	s2 =	simm.s32 @!p0 $0x1C03  }
0x98: {  	[timem:s3], [sflag:s2] =	dma.local @!p0 [hbm:s0], s1  }
0x99: {  	s0 =	simm.s32 @!p0 $0x3  }
0x9a: {  	_ =	swait.ge @!p0 [sflag:s0], s1  }
0x9b: {  	s1 =	ssub.s32 @!p0 $0x0, s1;
	[sflag:s0] =	ssyncset.done @!p0 $0x0  }
0x9c: {  	[sflag:s0] =	ssyncadd.s32 @!p0 s1  }
0x9d: {  	[bflag:$0x3] =	sbarrier.arrive $0xFFFF  }
0x9e: {  	_ =	shalt  }

// kernel: kernel.9.cloned.1.call-start
scs
__scs_entry_jumppad:
0x0: {  	(pc) =	sbr.rel $0x88, $3  }
0x1: {  	(tag) =	ssettag $0x0;
	lr =	simm.s32 $0x1  }
0x2: {  	[smem:$0x3F9B] =	sst lr;
	_ =	strace $0xD0000000  }
0x3: {  	_ = 	snop  }
0x4: {  	_ = 	snop  }
0x5: {  	_ = 	snop  }
0x6: {  	_ = 	snop  }
0x7: {  	_ = 	snop  }
__scs_overlays_trampoline_lowered:
0x8: {  	[smem:$0x3FAA] =	sst s0  }
0x9: {  	[smem:$0x3FAB] =	sst s1  }
0xa: {  	[smem:$0x3FAC] =	sst s2  }
0xb: {  	[smem:$0x3FAD] =	sst s3  }
0xc: {  	[smem:$0x3FAE] =	sst s4  }
0xd: {  	[smem:$0x3FAF] =	sst s5  }
0xe: {  	[smem:$0x3FB0] =	sst s6  }
0xf: {  	[smem:$0x3FB1] =	sst s7  }
0x10: {  	[smem:$0x3FB2] =	sst s8  }
0x11: {  	[smem:$0x3FB3] =	sst s9;
	s0 =	simm.s32 @!p0 $0x0  }
0x12: {  	s1 =	sld [smem:$0x3F99];
	s0 =	simm.s32 @p0 $0x1  }
0x13: {  	[smem:$0x3FB4] =	sst s0;
	s0 =	simm.s32 @!p1 $0x0  }
0x14: {  	s2 =	sld [smem:$0x3F98];
	s0 =	simm.s32 @p1 $0x1  }
0x15: {  	[smem:$0x3FB5] =	sst s0;
	s0 =	simm.s32 @!p2 $0x0  }
0x16: {  	s3 =	sld [smem:$0x3FDB];
	s0 =	simm.s32 @p2 $0x1  }
0x17: {  	s4 =	simm.s32 $0x1BF5;
	[smem:$0x3FB7] =	sst s0  }
0x18: {  	s0 =	sld [smem:$0x3F9A];
	_ =	swait.ge [sflag:s4], $0x0  }
0x19: {  	s7 =	sld [smem:$0x3F9B]  }
0x1a: {  	s8 =	sadd.s32 $0xFFFFE003, lr  }
0x1b: {  	s9 =	sadd.s32 $0xFFFFFEF7, lr;
	s5 =	simm.s32 $0xFFFFFFFF;
	p2 =	slt.u32 s8, $0xFFFFF086  }
0x1c: {  	p1 =	slt.u32 s9, $0xF7A;
	s5 =	simm.s32 @!p2 $0x0  }
0x1d: {  	s5 =	simm.s32 @p1 $0x1;
	p0 =	seq.s32 s7, s2  }
0x1e: {  	s7 =	smul.u32 @!p0 $0xF7A, s2;
	p2 =	seq.s32 @!p0 s5, $0x0  }
0x1f: {  	s9 =	smul.u32 $0xF7A, s1;
	s8 =	simm.s32 @!p0 $0x1BF5;
	p2 =	por !p2, p0  }
0x20: {  	[sflag:s8] =	ssyncset.s32 @!p0 $0xFFFFF086;
	s6 =	sadd.s32 @!p0 s3, s7;
	s7 =	simm.s32 @!p0 $0x108  }
0x21: {  	s3 =	sadd.s32 s3, s9;
	s6 =	sadd.s32 @!p0 $0x88, s6;
	s7 =	simm.s32 @p2 $0x1082  }
0x22: {  	[simem:s7], [sflag:s8] =	dma.local @!p0 [hbm:s6], $0xF7A  }
0x23: {  	s9 =	sor.u32 $0xD0000000, s2;
	s6 =	simm.s32 $0x108;
	_ =	swait.ge @!p0 [sflag:s8], $0x0  }
0x24: {  	s3 =	sadd.s32 $0x88, s3;
	s6 =	simm.s32 @!p1 $0x1082;
	[sflag:s4] =	ssyncset.s32 $0xFFFFF086  }
0x25: {  	[simem:s6], [sflag:s4] =	dma.local [hbm:s3], $0xF7A  }
0x26: {  	[smem:$0x3F9B] =	sst s1;
	(tag) =	ssettag s2;
	_ =	strace s9  }
0x27: {  	s1 =	sld [smem:$0x3FAB]  }
0x28: {  	s2 =	sld [smem:$0x3FAC]  }
0x29: {  	s4 =	sld [smem:$0x3FAE]  }
0x2a: {  	p0 =	seq.s32 s5, $0x0;
	s5 =	sld [smem:$0x3FAF]  }
0x2b: {  	s6 =	sld [smem:$0x3FB0]  }
0x2c: {  	s7 =	sld [smem:$0x3FB1]  }
0x2d: {  	s3 =	simm.s32 $0x108;
	s8 =	sld [smem:$0x3FB2]  }
0x2e: {  	s3 =	simm.s32 @!p0 $0x1082;
	s9 =	sld [smem:$0x3FB3]  }
0x2f: {  	lr =	sadd.s32 s0, s3;
	s0 =	sld [smem:$0x3FAA]  }
0x30: {  	s3 =	sld [smem:$0x3FAD]  }
0x31: {  	[smem:$0x3FB6] =	sst s10  }
0x32: {  	s10 =	sld [smem:$0x3FB4];
	_ =	sdelay $0x3  }
0x33: {  	p0 =	seq.s32 s10, $0x1;
	s10 =	sld [smem:$0x3FB6];
	_ =	sdelay $0x3  }
0x34: {  	[smem:$0x3FB6] =	sst s10  }
0x35: {  	s10 =	sld [smem:$0x3FB5];
	_ =	sdelay $0x3  }
0x36: {  	p1 =	seq.s32 s10, $0x1;
	s10 =	sld [smem:$0x3FB6];
	_ =	sdelay $0x3  }
0x37: {  	[smem:$0x3FB6] =	sst s10  }
0x38: {  	s10 =	sld [smem:$0x3FB7]  }
0x39: {  	_ = 	snop;
	(pc) =	sbr.ind lr, $3  }
0x3a: {  	_ = 	snop  }
0x3b: {  	_ = 	snop  }
0x3c: {  	p2 =	seq.s32 s10, $0x1;
	s10 =	sld [smem:$0x3FB6]  }
0x3d: {  	_ =	shalt  }
0x3e: {  	_ =	shalt  }
0x3f: {  	_ =	shalt  }
0x40: {  	_ =	shalt  }
0x41: {  	_ =	shalt  }
0x42: {  	_ =	shalt  }
0x43: {  	_ =	shalt  }
0x44: {  	_ =	shalt  }
0x45: {  	_ =	shalt  }
0x46: {  	_ =	shalt  }
0x47: {  	_ =	shalt  }
0x48: {  	_ =	shalt  }
0x49: {  	_ =	shalt  }
0x4a: {  	_ =	shalt  }
0x4b: {  	_ =	shalt  }
0x4c: {  	_ =	shalt  }
0x4d: {  	_ =	shalt  }
0x4e: {  	_ =	shalt  }
0x4f: {  	_ =	shalt  }
0x50: {  	_ =	shalt  }
0x51: {  	_ =	shalt  }
0x52: {  	_ =	shalt  }
0x53: {  	_ =	shalt  }
0x54: {  	_ =	shalt  }
0x55: {  	_ =	shalt  }
0x56: {  	_ =	shalt  }
0x57: {  	_ =	shalt  }
0x58: {  	_ =	shalt  }
0x59: {  	_ =	shalt  }
0x5a: {  	_ =	shalt  }
0x5b: {  	_ =	shalt  }
0x5c: {  	_ =	shalt  }
0x5d: {  	_ =	shalt  }
0x5e: {  	_ =	shalt  }
0x5f: {  	_ =	shalt  }
0x60: {  	_ =	shalt  }
0x61: {  	_ =	shalt  }
0x62: {  	_ =	shalt  }
0x63: {  	_ =	shalt  }
0x64: {  	_ =	shalt  }
0x65: {  	_ =	shalt  }
0x66: {  	_ =	shalt  }
0x67: {  	_ =	shalt  }
0x68: {  	_ =	shalt  }
0x69: {  	_ =	shalt  }
0x6a: {  	_ =	shalt  }
0x6b: {  	_ =	shalt  }
0x6c: {  	_ =	shalt  }
0x6d: {  	_ =	shalt  }
0x6e: {  	_ =	shalt  }
0x6f: {  	_ =	shalt  }
0x70: {  	_ =	shalt  }
0x71: {  	_ =	shalt  }
0x72: {  	_ =	shalt  }
0x73: {  	_ =	shalt  }
0x74: {  	_ =	shalt  }
0x75: {  	_ =	shalt  }
0x76: {  	_ =	shalt  }
0x77: {  	_ =	shalt  }
0x78: {  	_ =	shalt  }
0x79: {  	_ =	shalt  }
0x7a: {  	_ =	shalt  }
0x7b: {  	_ =	shalt  }
0x7c: {  	_ =	shalt  }
0x7d: {  	_ =	shalt  }
0x7e: {  	_ =	shalt  }
0x7f: {  	_ =	shalt  }
0x80: {  	_ =	shalt  }
0x81: {  	_ =	shalt  }
0x82: {  	_ =	shalt  }
0x83: {  	_ =	shalt  }
0x84: {  	_ =	shalt  }
0x85: {  	_ =	shalt  }
0x86: {  	_ =	shalt  }
0x87: {  	_ =	shalt  }
.Lfunc_end0:
.L_simem_size_0:
called_computation_lowered:
.L_overlay_start_0:
0x88: {  	s2 =	sld [smem:$0x3FD9]  }
0x89: {  	s3 =	sld [smem:$0x3FFE];
	_ =	sdelay $0x1  }
0x8a: {  	s1 =	srdreg.scid  }
0x8b: {  	s0 =	sand.u32 $0x1, s1  }
0x8c: {  	s16 =	sshll.u32 s0, $0xA;
	s2 =	sadd.s32 s3, s2  }
0x8d: {  	s2 =	sadd.s32 s2, s16  }
0x8e: {  	[smem:$0x3FC2] =	sst s2  }
0x8f: {  	_ = 	snop  }
0x90: {  	(tm) =	ssettm $0x1  }
0x91: {  	s17 =	sld [smem:$0x3FFB];
	_ =	sdelay $0x3  }
0x92: {  	_ =	strace s17  }
0x93: {  	s2 =	sld [smem:$0x3FFC];
	_ =	sdelay $0x3  }
0x94: {  	_ =	strace s2  }
0x95: {  	s2 =	sld [smem:$0x3FFD];
	_ =	sdelay $0x3  }
0x96: {  	_ =	strace s2  }
0x97: {  	_ =	strace $0x8FFFFFFF  }
0x98: {  	s18 =	sld [smem:$0x3FDB];
	_ =	sdelay $0x1  }
0x99: {  	s19 =	simm.s32 $_scs_section_size  }
0x9a: {  	s4 =	simm.s32 $_size__tile_overlayer_lowered;
	s5 =	simm.s32 $_tile_overlayer_lowered  }
0x9b: {  	s22 =	simm.s32 $0x1BFF;
	s21 =	sshll.u32 s5, $0x1;
	s2 =	sadd.s32 s19, s18  }
0x9c: {  	s6 =	simm.s32 $0x0;
	s20 =	sshll.u32 s4, $0x1;
	s4 =	sadd.s32 s21, s2  }
0x9d: {  	[timem:s6], [sflag:s22] =	dma.local [hbm:s4], s20  }
0x9e: {  	_ =	swait.ge [sflag:s22], s20  }
0x9f: {  	s3 =	ssub.s32 $0x0, s20;
	[sflag:s22] =	ssyncset.done $0x0  }
0xa0: {  	[sflag:s22] =	ssyncadd.s32 s3;
	_ =	sdelay $0x1  }
0xa1: {  	s23 =	simm.s32 $0x1B8B  }
0xa2: {  	_ =	swait.ge [sflag:s23], $0x1  }
0xa3: {  	[sflag:s23] =	ssyncset.done $0x0  }
0xa4: {  	s25 =	simm.s32 $0x1B8E;
	s24 =	sld [smem:$0x3FFE];
	[sflag:s23] =	ssyncadd.s32 $0xFFFFFFFF  }
0xa5: {  	s26 =	simm.s32 $execute0_lowered;
	[smem:$0x3FD2] =	sst s25  }
0xa6: {  	s4 =	sshll.u32 s26, $0x1;
	_ =	strace $0x80000046;
	[dreg:$0x1] =	wrdreg $0xFFFFFFFF  }
0xa7: {  	s28 =	simm.s32 $_size_execute0_lowered;
	s2 =	sadd.s32 s2, s4;
	[dreg:$0x0] =	wrdreg $0x0  }
0xa8: {  	s4 =	sshll.u32 s28, $0x1;
	[dreg:$0x2] =	wrdreg s2  }
0xa9: {  	[dreg:$0x3] =	wrdreg s4  }
0xaa: {  	[dreg:$0x4] =	wrdreg $0xC0  }
0xab: {  	_ =	task [dreg:s6], $0x5FFFF  }
0xac: {  	[dreg:$0x1] =	wrdreg $0xFFFFFFFF  }
0xad: {  	[dreg:$0x0] =	wrdreg $0x60  }
0xae: {  	[dreg:$0x2] =	wrdreg s24  }
0xaf: {  	[dreg:$0x3] =	wrdreg $0x9  }
0xb0: {  	_ =	task.clear_ibuf [dreg:s6], $0x4FFFF;
	_ =	strace $0x90000046  }
0xb1: {  	s29 =	simm.s32 $0x9;
	_ =	strace $0x80000048  }
0xb2: {  	_ =	swait.ge [sflag:s29], $0x1  }
0xb3: {  	[sflag:s29] =	ssyncadd.s32 $0xFFFFFFFF  }
0xb4: {  	_ =	strace $0x90000048  }
0xb5: {  	_ =	sfence  }
0xb6: {  	s30 =	sld [smem:$0x0];
	_ =	sdelay $0x2  }
0xb7: {  	s31 =	sshll.u32 s1, $0xD;
	s1 =	sshrl.u32 s1, $0x2  }
0xb8: {  	s3 =	sand.u32 $0x4000, s31;
	s1 =	sadd.s32 s1, s30  }
0xb9: {  	s0 =	sor.u32 s3, s0;
	s1 =	sshll.u32 s1, $0x11  }
0xba: {  	s0 =	sor.u32 s1, s0  }
0xbb: {  	s0 =	sadd.s32 $0x8F2B, s0  }
0xbc: {  	[sflag:s0] =	ssyncadd.remote.s32 $0x1  }
0xbd: {  	_ =	sfence.sel $0xFFFF  }
0xbe: {  	[dreg:$0x0] =	wrdreg $0xFFFFFFFF;
	(pc) =	sbr.abs _section_cstart, $3  }
0xbf: {  	[dreg:$0x1] =	wrdreg $0xFFFFFFFF  }
0xc0: {  	_ =	task.clear_ibuf [dreg:s6], $0x2FFFF;
	_ =	strace $0x9FFFFFFF  }
0xc1: {  	(tm) =	ssettm $0x7FFFFFFF  }
tec
execute0_lowered:
.L_overlay_start_1:
0x0: {  	(tag) =	ssettag $0x1  }
0x1: {  	s0 =	srdreg.scid  }
0x2: {  	s3 =	sand.u32 $0x1, s0  }
0x3: {  	s0 =	stileid.u32;
	s1 =	sshll.u32 s3, $0x4  }
0x4: {  	s4 =	rddreg [dreg:$0x0];
	s5 =	sor.u32 s0, s1  }
0x5: {  	s2 =	simm.s32 $0x0;
	s8 =	simm.s32 $0x0;
	s6 =	smul.u32 $0x2710, s5  }
0x6: {  	[smem:$0x7FF] =	sst s2;
	s3 =	ssub.s32 $0x2, s3;
	s5 =	smul.u32 $0x500, s5  }
0x7: {  	s1 =	rddreg [dreg:$0x1];
	_ =	strace $0x80000047;
	s7 =	sshrl.u32 s3, $0x1  }
0x8: {  	s7 =	ssub.s32 s3, s7;
	s6 =	sshrl.u32 s6, $0x3;
	s5 =	sadd.s32 s5, s4  }
0x9: {  	s31 =	sadd.s32 s4, s6;
	s4 =	sadd.s32 $0x17000, s5;
	s5 =	smax.u32 s7, $0x1  }
0xa: {  	v0 =	vimm.f32 $0.0e+00;
	v1 =	vimm.f32 $1.000000000e+00;
	s6 =	simm.s32 $0x2800;
	s7 =	simm.s32 $0x1;
	s3 =	sadd.s32 $0xD240, s31  }
.LBB2_1:
0xb: {  	s9 =	simm.s32 $0x40;
	s10 =	simm.s32 $0x0  }
.LBB2_2:
0xc: {  	p0 =	sne.s32 s9, $0x9FC0;
	[tilespmem:s10+$0x0] =	vst v0;
	s10 =	smov.u32 s9;
	s9 =	sadd.s32 $0x40, s9  }
.Ltmp0:
0xd: {  	(pc) =	sbr.rel @p0 .LBB2_2-.Ltmp0, $2  }
0xe: {  	_ =	sdelay $0x2  }
0xf: {  	s10 =	sshra.s32 s10, $0x2  }
0x10: {  	[tilespmem:s10+$0x0] =	vst v0;
	s9 =	simm.s32 $0x0  }
0x11: {  	[tilespmem:s6], [sflag:$0x1] =	stream.linear.gather [hbm4b:s3+s9], $0x2710, $0x38;
	[tilespmem:$0x4F80] =	vst v63  }
0x12: {  	_ =	swait.ge [sflag:s7], $0x2710  }
0x13: {  	[sflag:s7] =	ssyncset.done $0x0  }
0x14: {  	s10 =	simm.s32 $0x0;
	s9 =	simm.s32 $0x40;
	[sflag:s7] =	ssyncadd.s32 $0xFFFFD8F0  }
.LBB2_4:
0x15: {  	p0 =	sne.s32 s9, $0x9C00;
	v2 =	vld [tilespmem:s10+$0x2800];
	_ =	sdelay $0x3  }
.Ltmp1:
0x16: {  	(pc) =	sbr.rel @p0 .LBB2_4-.Ltmp1, $2  }
0x17: {  	_ =	sdelay $0x2  }
0x18: {  	s10 =	sshra.s32 s9, $0x2;
	s9 =	sadd.s32 $0x40, s9;
	[tilespmem:v2+s2+$0x0] =	vst.idx.add.f32.msk $0xffff, v1  }
0x19: {  	v2 =	vld [tilespmem:s10+$0x2800];
	_ =	sdelay $0x5  }
0x1a: {  	s8 =	sadd.s32 $0x1, s8  }
0x1b: {  	p0 =	sne.s32 s8, s5  }
.Ltmp2:
0x1c: {  	[tilespmem:v2+s2+$0x0] =	vst.idx.add.f32.msk $0xffff, v1;
	(pc) =	sbr.rel @p0 .LBB2_1-.Ltmp2, $4  }
0x1d: {  	[hbm4b:s4+s2] =	stream.linear.scatter [tilespmem:s2], [sflag:$0x1], $0x2800, $0x38;
	[tilespmem:$0x4F80] =	vst v63  }
0x1e: {  	_ =	swait.ge [sflag:s7], $0x2800  }
0x1f: {  	[sflag:s7] =	ssyncset.done $0x0  }
0x20: {  	[sflag:s7] =	ssyncadd.s32 $0xFFFFD800  }
0x21: {  	_ =	sfence.sel $0x180000  }
0x22: {  	[bflag:$0x0] =	sbarrier.arrive $0xFFFF  }
0x23: {  	p0 =	sne.s32 s0, $0x0;
	_ =	strace $0x90000047  }
0x24: {  	s0 =	sadd.s32 @!p0 $0x100000, s1;
	[bflag:$0x2] =	sbarrier.arrive $0xFFFF  }
0x25: {  	[sflag:s0] =	ssyncadd.tile.s32 @!p0 $0x1;
	_ =	shalt  }
.Lfunc_end2:
_tile_overlayer_lowered:
.L_overlay_start_2:
0x26: {  	(tag) =	ssettag $0x2  }
0x27: {  	s0 =	rddreg [dreg:$0x0];
	s2 =	stileid.u32  }
0x28: {  	s1 =	rddreg [dreg:$0x1];
	p0 =	sne.s32 s2, $0x0  }
0x29: {  	s3 =	rddreg [dreg:$0x2];
	[bflag:$0x3] =	sbarrier.arrive $0xFFFF;
	s2 =	simm.s32 @!p0 $0x1C01  }
0x2a: {  	[timem:s3], [sflag:s2] =	dma.local @!p0 [hbm:s0], s1  }
0x2b: {  	s0 =	simm.s32 @!p0 $0x1  }
0x2c: {  	_ =	swait.ge @!p0 [sflag:s0], s1  }
0x2d: {  	s1 =	ssub.s32 @!p0 $0x0, s1;
	[sflag:s0] =	ssyncset.done @!p0 $0x0  }
0x2e: {  	[sflag:s0] =	ssyncadd.s32 @!p0 s1  }
0x2f: {  	[bflag:$0x3] =	sbarrier.arrive $0xFFFF  }
0x30: {  	_ =	shalt  }

</sc_bundles>
